<compile_context>
chip_gen: v7x
topology: tpu7x:2x2x1
jax: 0.10.2.dev20260603
libtpu: 0.0.44.dev20260713+nightly
codegen_flags: <defaults>
</compile_context>

<pallas_src>
import functools

import jax
import jax.numpy as jnp
from jax import lax
from jax.experimental import pallas as pl
from jax.experimental.pallas import tpu as pltpu
from jax.experimental.pallas import tpu_sc as plsc

B = 64
N = 1024
IN_FEAT = 192
HIDDEN = 128
CODE_DIM = 32
CODEBOOK_SIZE = 256
OUT_FEAT = 192

TB = 2048
BN = B * N
GRID = BN // TB

NC = 2
NS = 16
NW = NC * NS
TOK_PER_W = BN // NW
CHUNK = 256
NCHUNK = TOK_PER_W // CHUNK


def _tc_body(x_ref, wd_ref, bd_ref, wi_ref, bi_ref, cb_ref, wo_ref, bo_ref,
             wu_ref, bu_ref, idx_ref, table_ref):
    def mm(a, b, dims):
        return jax.lax.dot_general(a.astype(jnp.bfloat16),
                                   b.astype(jnp.bfloat16), dims,
                                   preferred_element_type=jnp.float32)

    @pl.when(pl.program_id(0) == 0)
    def _():
        cb0 = cb_ref[...]
        t0 = mm(cb0, wo_ref[...], (((1,), (1,)), ((), ()))) + bo_ref[...]
        t1 = mm(t0, wu_ref[...], (((1,), (1,)), ((), ()))) + bu_ref[...]
        table_ref[...] = jnp.clip(t1, -1.0, 1.0)

    x = x_ref[...]
    h = mm(x, wd_ref[...], (((1,), (1,)), ((), ()))) + bd_ref[...]
    z = mm(h, wi_ref[...], (((1,), (1,)), ((), ()))) + bi_ref[...]
    cb = cb_ref[...]
    scores = mm(z, cb, (((1,), (1,)), ((), ())))
    zz = jnp.sum(z * z, axis=1, keepdims=True)
    c2 = jax.lax.dot_general(jnp.ones((1, CODE_DIM), jnp.float32), cb * cb,
                             (((1,), (1,)), ((), ())),
                             precision=jax.lax.Precision.HIGHEST,
                             preferred_element_type=jnp.float32)
    dist = (zz - 2.0 * scores) + c2
    dmin = jnp.min(dist, axis=1, keepdims=True)
    lane = jax.lax.broadcasted_iota(jnp.int32, dist.shape, 1)
    idx_ref[...] = jnp.min(jnp.where(dist == dmin, lane, CODEBOOK_SIZE),
                           axis=1, keepdims=True)


def _indices_and_table(xf, W_down, b_down, W_in, b_in, codebook, W_out, b_out,
                       W_up, b_up):
    full = lambda shape: pl.BlockSpec(shape, lambda i: (0,) * len(shape))
    return pl.pallas_call(
        _tc_body,
        grid=(GRID,),
        in_specs=[
            pl.BlockSpec((TB, IN_FEAT), lambda i: (i, 0)),
            full((HIDDEN, IN_FEAT)),
            full((1, HIDDEN)),
            full((CODE_DIM, HIDDEN)),
            full((1, CODE_DIM)),
            full((CODEBOOK_SIZE, CODE_DIM)),
            full((HIDDEN, CODE_DIM)),
            full((1, HIDDEN)),
            full((OUT_FEAT, HIDDEN)),
            full((1, OUT_FEAT)),
        ],
        out_specs=[
            pl.BlockSpec((TB, 1), lambda i: (i, 0)),
            full((CODEBOOK_SIZE, OUT_FEAT)),
        ],
        out_shape=[
            jax.ShapeDtypeStruct((BN, 1), jnp.int32),
            jax.ShapeDtypeStruct((CODEBOOK_SIZE, OUT_FEAT), jnp.float32),
        ],
    )(xf, W_down, b_down.reshape(1, HIDDEN), W_in, b_in.reshape(1, CODE_DIM),
      codebook, W_out, b_out.reshape(1, HIDDEN), W_up,
      b_up.reshape(1, OUT_FEAT))


@functools.partial(
    pl.kernel,
    out_type=jax.ShapeDtypeStruct((BN, OUT_FEAT), jnp.float32),
    mesh=plsc.VectorSubcoreMesh(core_axis_name="c", subcore_axis_name="s",
                                num_cores=NC, num_subcores=NS),
    compiler_params=pltpu.CompilerParams(use_tc_tiling_on_sc=False),
    scratch_types=[
        pltpu.VMEM_SHARED((CODEBOOK_SIZE, OUT_FEAT), jnp.float32),
        pltpu.VMEM((CHUNK,), jnp.int32),
        pltpu.VMEM((CHUNK,), jnp.int32),
        pltpu.VMEM((CHUNK, OUT_FEAT), jnp.float32),
        pltpu.VMEM((CHUNK, OUT_FEAT), jnp.float32),
        pltpu.SemaphoreType.DMA,
        pltpu.SemaphoreType.DMA,
    ],
)
def _sc_gather(table_hbm, idx_hbm, out_hbm, table_sp, idx_a, idx_b, rows_a,
               rows_b, sem_a, sem_b):
    sid = lax.axis_index("s")
    wid = sid * NC + lax.axis_index("c")
    base = wid * TOK_PER_W

    @pl.when(sid == 0)
    def _():
        pltpu.sync_copy(table_hbm, table_sp)
    plsc.subcore_barrier()

    bufs = ((idx_a, rows_a, sem_a), (idx_b, rows_b, sem_b))
    pltpu.sync_copy(idx_hbm.at[pl.ds(base, CHUNK)], idx_a)
    copies = [pltpu.async_copy(table_sp.at[idx_a], rows_a, sem_a)]
    for j in range(1, NCHUNK + 1):
        if j < NCHUNK:
            idx_v, rows, sem = bufs[j % 2]
            pltpu.sync_copy(idx_hbm.at[pl.ds(base + j * CHUNK, CHUNK)], idx_v)
            copies.append(pltpu.async_copy(table_sp.at[idx_v], rows, sem))
        _, prev_rows, _ = bufs[(j - 1) % 2]
        copies[j - 1].wait()
        pltpu.sync_copy(prev_rows,
                        out_hbm.at[pl.ds(base + (j - 1) * CHUNK, CHUNK)])


def kernel(x, W_down, b_down, W_in, b_in, codebook, W_out, b_out, W_up, b_up):
    xf = x.reshape(BN, IN_FEAT)
    idx, table = _indices_and_table(xf, W_down, b_down, W_in, b_in, codebook,
                                    W_out, b_out, W_up, b_up)
    out = _sc_gather(table, idx.reshape(BN), )
    out = out.reshape(B, N, OUT_FEAT)
    indices = idx.reshape(B, N)
    commit_loss = jnp.zeros((), dtype=jnp.float32)
    return (out, indices, commit_loss)

# --- scband reference (transcript-rebuilt; emitter-appended) ---
"""Pipeline reference for scband-vqexpert-33938831572994 (READ-ONLY COPY).

The authoritative reference and input builder live on the scoring server;
editing this copy changes nothing except your own understanding.
"""

import jax, jax.numpy as jnp
import numpy as np

B = 64
N = 1024
IN_FEAT = 192
HIDDEN = 128
CODE_DIM = 32
CODEBOOK_SIZE = 256
OUT_FEAT = 192


def setup_inputs(seed: int = 0) -> dict:
    key = jax.random.key(seed)
    ks = jax.random.split(key, 7)
    x = jax.random.normal(ks[0], (B, N, IN_FEAT), dtype=jnp.float32)
    W_down = jax.random.normal(ks[1], (HIDDEN, IN_FEAT), dtype=jnp.float32) * (1.0 / np.sqrt(IN_FEAT))
    b_down = jnp.zeros((HIDDEN,), dtype=jnp.float32)
    W_in = jax.random.normal(ks[2], (CODE_DIM, HIDDEN), dtype=jnp.float32) * (1.0 / np.sqrt(HIDDEN))
    b_in = jnp.zeros((CODE_DIM,), dtype=jnp.float32)
    codebook = jax.random.normal(ks[3], (CODEBOOK_SIZE, CODE_DIM), dtype=jnp.float32)
    W_out = jax.random.normal(ks[4], (HIDDEN, CODE_DIM), dtype=jnp.float32) * (1.0 / np.sqrt(CODE_DIM))
    b_out = jnp.zeros((HIDDEN,), dtype=jnp.float32)
    W_up = jax.random.normal(ks[5], (OUT_FEAT, HIDDEN), dtype=jnp.float32) * (1.0 / np.sqrt(HIDDEN))
    b_up = jnp.zeros((OUT_FEAT,), dtype=jnp.float32)
    return {
        "x": x,
        "W_down": W_down, "b_down": b_down,
        "W_in": W_in, "b_in": b_in,
        "codebook": codebook,
        "W_out": W_out, "b_out": b_out,
        "W_up": W_up, "b_up": b_up,
    }


def reference(x, W_down, b_down, W_in, b_in, codebook, W_out, b_out, W_up, b_up):
    # down projection: in_feat -> hidden
    h = jnp.einsum('bnd,hd->bnh', x, W_down) + b_down
    # VectorQuantize project_in: hidden -> codebook_dim
    z = jnp.einsum('bnh,ch->bnc', h, W_in) + b_in
    # euclidean distances to codebook [K, code_dim]
    dist = (
        jnp.sum(z * z, axis=-1, keepdims=True)
        - 2.0 * jnp.einsum('bnc,kc->bnk', z, codebook)
        + jnp.sum(codebook * codebook, axis=-1)
    )
    indices = jnp.argmin(dist, axis=-1)  # [B, N], int
    quantized = jnp.take(codebook, indices, axis=0)  # gather [B, N, code_dim]
    # straight-through estimator
    quantized = z + jax.lax.stop_gradient(quantized - z)
    # commitment_weight = 0 -> commit loss is zero
    commit_loss = jnp.zeros((), dtype=jnp.float32)
    # VectorQuantize project_out: codebook_dim -> hidden
    o = jnp.einsum('bnc,hc->bnh', quantized, W_out) + b_out
    # up projection: hidden -> out_feat
    out = jnp.einsum('bnh,oh->bno', o, W_up) + b_up
    return (jnp.clip(out, -1.0, 1.0), indices, commit_loss)

if __name__ == "__main__":
    import jax
    _d = setup_inputs()
    print(jax.jit(kernel)(*tuple(_d.values())))

</pallas_src>

<mosaic_0001>
#map = affine_map<(d0, d1) -> (0, 0)>
#map1 = affine_map<(d0, d1) -> (0)>
module attributes {stable_mosaic.version = 14 : i64} {
  func.func @_sc_gather(%arg0: i32, %arg1: i32, %arg2: memref<256x192xf32, #tpu.memory_space<hbm>>, %arg3: memref<65536xi32, #tpu.memory_space<hbm>>, %arg4: memref<65536x192xf32, #tpu.memory_space<hbm>>, %arg5: memref<256x192xf32, #tpu.memory_space<vmem_shared>>, %arg6: memref<256xi32, #tpu.memory_space<vmem>>, %arg7: memref<256xi32, #tpu.memory_space<vmem>>, %arg8: memref<256x192xf32, #tpu.memory_space<vmem>>, %arg9: memref<256x192xf32, #tpu.memory_space<vmem>>, %arg10: memref<!tpu.dma_semaphore, #tpu.memory_space<semaphore_mem>>, %arg11: memref<!tpu.dma_semaphore, #tpu.memory_space<semaphore_mem>>) attributes {dimension_semantics = [#tpu.dimension_semantics<core_parallel>, #tpu.dimension_semantics<subcore_parallel>], iteration_bounds = array<i64: 2, 16>, scalar_prefetch = 0 : i64, scratch_operands = 7 : i64, tpu.core_type = #tpu.core_type<sc_vector_subcore>, window_params = [{transform_indices = #map}, {transform_indices = #map1}, {transform_indices = #map}]} {
    %mul3A = arith.constant 2 : i32
    %mul3A_0 = arith.muli %arg1, %mul3A : i32
    %add3A = arith.addi %mul3A_0, %arg0 : i32
    %mul3A_1 = arith.constant 2048 : i32
    %mul3A_2 = arith.muli %add3A, %mul3A_1 : i32
    %eq3A = arith.constant 0 : i32
    %eq3A_3 = arith.cmpi eq, %arg1, %eq3A : i32
    %convert_element_type3A = arith.extui %eq3A_3 : i1 to i32
    %cond3A = arith.constant 0 : i32
    %cond3A_4 = arith.cmpi ne, %convert_element_type3A, %cond3A : i32
    scf.if %cond3A_4 {
      "tpu.region"() ({
        %run_scoped3A = tpu.sem_alloc : memref<!tpu.dma_semaphore, #tpu.memory_space<semaphore_mem>>
        tpu.enqueue_dma source(%arg2 : memref<256x192xf32, #tpu.memory_space<hbm>>) target(%arg5 : memref<256x192xf32, #tpu.memory_space<vmem_shared>>) target_semaphore(%run_scoped3A : memref<!tpu.dma_semaphore, #tpu.memory_space<semaphore_mem>>)
        tpu.wait_dma2 semaphore(%run_scoped3A : memref<!tpu.dma_semaphore, #tpu.memory_space<semaphore_mem>>) src(%arg2 : memref<256x192xf32, #tpu.memory_space<hbm>>) dst(%arg5 : memref<256x192xf32, #tpu.memory_space<vmem_shared>>)
        tpu.yield
      }) : () -> ()
    } else {
    }
    %barrier3A = arith.constant 0 : index
    tpu.barrier barrier_id(%barrier3A)
    "tpu.region"() ({
      %run_scoped3A = tpu.sem_alloc : memref<!tpu.dma_semaphore, #tpu.memory_space<semaphore_mem>>
      %dma_start3A_81 = tpu.memref_slice %arg3[%mul3A_2] : memref<65536xi32, #tpu.memory_space<hbm>> -> memref<256xi32, #tpu.memory_space<hbm>>
      %dma_start3A_82 = tpu.memref_slice %arg3[%mul3A_2] : memref<65536xi32, #tpu.memory_space<hbm>> -> memref<256xi32, #tpu.memory_space<hbm>>
      tpu.enqueue_dma source(%dma_start3A_82 : memref<256xi32, #tpu.memory_space<hbm>>) target(%arg6 : memref<256xi32, #tpu.memory_space<vmem>>) target_semaphore(%run_scoped3A : memref<!tpu.dma_semaphore, #tpu.memory_space<semaphore_mem>>)
      %dma_wait3A_83 = tpu.memref_slice %arg3[%mul3A_2] : memref<65536xi32, #tpu.memory_space<hbm>> -> memref<256xi32, #tpu.memory_space<hbm>>
      %dma_wait3A_84 = tpu.memref_slice %arg3[%mul3A_2] : memref<65536xi32, #tpu.memory_space<hbm>> -> memref<256xi32, #tpu.memory_space<hbm>>
      tpu.wait_dma2 semaphore(%run_scoped3A : memref<!tpu.dma_semaphore, #tpu.memory_space<semaphore_mem>>) src(%dma_wait3A_84 : memref<256xi32, #tpu.memory_space<hbm>>) dst(%arg6 : memref<256xi32, #tpu.memory_space<vmem>>)
      tpu.yield
    }) : () -> ()
    %dma_start3A = arith.constant 0 : i32
    %dma_start3A_5 = arith.constant 0 : i32
    %dma_start3A_6 = tpu.memref_slice %arg5[%dma_start3A, %dma_start3A_5] : memref<256x192xf32, #tpu.memory_space<vmem_shared>> -> memref<256x192xf32, #tpu.memory_space<vmem_shared>>
    tpu.enqueue_indirect_dma source(%dma_start3A_6 : memref<256x192xf32, #tpu.memory_space<vmem_shared>>) target(%arg8 : memref<256x192xf32, #tpu.memory_space<vmem>>) offsets(%arg6 : memref<256xi32, #tpu.memory_space<vmem>>) semaphore(%arg10 : memref<!tpu.dma_semaphore, #tpu.memory_space<semaphore_mem>>)
    %add3A_7 = arith.constant 256 : i32
    %add3A_8 = arith.addi %mul3A_2, %add3A_7 : i32
    "tpu.region"() ({
      %run_scoped3A = tpu.sem_alloc : memref<!tpu.dma_semaphore, #tpu.memory_space<semaphore_mem>>
      %dma_start3A_81 = tpu.memref_slice %arg3[%add3A_8] : memref<65536xi32, #tpu.memory_space<hbm>> -> memref<256xi32, #tpu.memory_space<hbm>>
      %dma_start3A_82 = tpu.memref_slice %arg3[%add3A_8] : memref<65536xi32, #tpu.memory_space<hbm>> -> memref<256xi32, #tpu.memory_space<hbm>>
      tpu.enqueue_dma source(%dma_start3A_82 : memref<256xi32, #tpu.memory_space<hbm>>) target(%arg7 : memref<256xi32, #tpu.memory_space<vmem>>) target_semaphore(%run_scoped3A : memref<!tpu.dma_semaphore, #tpu.memory_space<semaphore_mem>>)
      %dma_wait3A_83 = tpu.memref_slice %arg3[%add3A_8] : memref<65536xi32, #tpu.memory_space<hbm>> -> memref<256xi32, #tpu.memory_space<hbm>>
      %dma_wait3A_84 = tpu.memref_slice %arg3[%add3A_8] : memref<65536xi32, #tpu.memory_space<hbm>> -> memref<256xi32, #tpu.memory_space<hbm>>
      tpu.wait_dma2 semaphore(%run_scoped3A : memref<!tpu.dma_semaphore, #tpu.memory_space<semaphore_mem>>) src(%dma_wait3A_84 : memref<256xi32, #tpu.memory_space<hbm>>) dst(%arg7 : memref<256xi32, #tpu.memory_space<vmem>>)
      tpu.yield
    }) : () -> ()
    %dma_start3A_9 = arith.constant 0 : i32
    %dma_start3A_10 = arith.constant 0 : i32
    %dma_start3A_11 = tpu.memref_slice %arg5[%dma_start3A_9, %dma_start3A_10] : memref<256x192xf32, #tpu.memory_space<vmem_shared>> -> memref<256x192xf32, #tpu.memory_space<vmem_shared>>
    tpu.enqueue_indirect_dma source(%dma_start3A_11 : memref<256x192xf32, #tpu.memory_space<vmem_shared>>) target(%arg9 : memref<256x192xf32, #tpu.memory_space<vmem>>) offsets(%arg7 : memref<256xi32, #tpu.memory_space<vmem>>) semaphore(%arg11 : memref<!tpu.dma_semaphore, #tpu.memory_space<semaphore_mem>>)
    %dma_wait3A = arith.constant 0 : i32
    %dma_wait3A_12 = arith.constant 0 : i32
    %dma_wait3A_13 = tpu.memref_slice %arg5[%dma_wait3A, %dma_wait3A_12] : memref<256x192xf32, #tpu.memory_space<vmem_shared>> -> memref<256x192xf32, #tpu.memory_space<vmem_shared>>
    tpu.wait_indirect_dma semaphore(%arg10 : memref<!tpu.dma_semaphore, #tpu.memory_space<semaphore_mem>>) src(%dma_wait3A_13 : memref<256x192xf32, #tpu.memory_space<vmem_shared>>) dst(%arg8 : memref<256x192xf32, #tpu.memory_space<vmem>>)
    %add3A_14 = arith.constant 0 : i32
    %add3A_15 = arith.addi %mul3A_2, %add3A_14 : i32
    "tpu.region"() ({
      %run_scoped3A = tpu.sem_alloc : memref<!tpu.dma_semaphore, #tpu.memory_space<semaphore_mem>>
      %dma_start3A_81 = arith.constant 0 : i32
      %dma_start3A_82 = tpu.memref_slice %arg4[%add3A_15, %dma_start3A_81] : memref<65536x192xf32, #tpu.memory_space<hbm>> -> memref<256x192xf32, #tpu.memory_space<hbm>>
      %dma_start3A_83 = arith.constant 0 : i32
      %dma_start3A_84 = tpu.memref_slice %arg4[%add3A_15, %dma_start3A_83] : memref<65536x192xf32, #tpu.memory_space<hbm>> -> memref<256x192xf32, #tpu.memory_space<hbm>>
      tpu.enqueue_dma source(%arg8 : memref<256x192xf32, #tpu.memory_space<vmem>>) target(%dma_start3A_84 : memref<256x192xf32, #tpu.memory_space<hbm>>) target_semaphore(%run_scoped3A : memref<!tpu.dma_semaphore, #tpu.memory_space<semaphore_mem>>)
      %dma_wait3A_85 = arith.constant 0 : i32
      %dma_wait3A_86 = tpu.memref_slice %arg4[%add3A_15, %dma_wait3A_85] : memref<65536x192xf32, #tpu.memory_space<hbm>> -> memref<256x192xf32, #tpu.memory_space<hbm>>
      %dma_wait3A_87 = arith.constant 0 : i32
      %dma_wait3A_88 = tpu.memref_slice %arg4[%add3A_15, %dma_wait3A_87] : memref<65536x192xf32, #tpu.memory_space<hbm>> -> memref<256x192xf32, #tpu.memory_space<hbm>>
      tpu.wait_dma2 semaphore(%run_scoped3A : memref<!tpu.dma_semaphore, #tpu.memory_space<semaphore_mem>>) src(%arg8 : memref<256x192xf32, #tpu.memory_space<vmem>>) dst(%dma_wait3A_88 : memref<256x192xf32, #tpu.memory_space<hbm>>)
      tpu.yield
    }) : () -> ()
    %add3A_16 = arith.constant 512 : i32
    %add3A_17 = arith.addi %mul3A_2, %add3A_16 : i32
    "tpu.region"() ({
      %run_scoped3A = tpu.sem_alloc : memref<!tpu.dma_semaphore, #tpu.memory_space<semaphore_mem>>
      %dma_start3A_81 = tpu.memref_slice %arg3[%add3A_17] : memref<65536xi32, #tpu.memory_space<hbm>> -> memref<256xi32, #tpu.memory_space<hbm>>
      %dma_start3A_82 = tpu.memref_slice %arg3[%add3A_17] : memref<65536xi32, #tpu.memory_space<hbm>> -> memref<256xi32, #tpu.memory_space<hbm>>
      tpu.enqueue_dma source(%dma_start3A_82 : memref<256xi32, #tpu.memory_space<hbm>>) target(%arg6 : memref<256xi32, #tpu.memory_space<vmem>>) target_semaphore(%run_scoped3A : memref<!tpu.dma_semaphore, #tpu.memory_space<semaphore_mem>>)
      %dma_wait3A_83 = tpu.memref_slice %arg3[%add3A_17] : memref<65536xi32, #tpu.memory_space<hbm>> -> memref<256xi32, #tpu.memory_space<hbm>>
      %dma_wait3A_84 = tpu.memref_slice %arg3[%add3A_17] : memref<65536xi32, #tpu.memory_space<hbm>> -> memref<256xi32, #tpu.memory_space<hbm>>
      tpu.wait_dma2 semaphore(%run_scoped3A : memref<!tpu.dma_semaphore, #tpu.memory_space<semaphore_mem>>) src(%dma_wait3A_84 : memref<256xi32, #tpu.memory_space<hbm>>) dst(%arg6 : memref<256xi32, #tpu.memory_space<vmem>>)
      tpu.yield
    }) : () -> ()
    %dma_start3A_18 = arith.constant 0 : i32
    %dma_start3A_19 = arith.constant 0 : i32
    %dma_start3A_20 = tpu.memref_slice %arg5[%dma_start3A_18, %dma_start3A_19] : memref<256x192xf32, #tpu.memory_space<vmem_shared>> -> memref<256x192xf32, #tpu.memory_space<vmem_shared>>
    tpu.enqueue_indirect_dma source(%dma_start3A_20 : memref<256x192xf32, #tpu.memory_space<vmem_shared>>) target(%arg8 : memref<256x192xf32, #tpu.memory_space<vmem>>) offsets(%arg6 : memref<256xi32, #tpu.memory_space<vmem>>) semaphore(%arg10 : memref<!tpu.dma_semaphore, #tpu.memory_space<semaphore_mem>>)
    %dma_wait3A_21 = arith.constant 0 : i32
    %dma_wait3A_22 = arith.constant 0 : i32
    %dma_wait3A_23 = tpu.memref_slice %arg5[%dma_wait3A_21, %dma_wait3A_22] : memref<256x192xf32, #tpu.memory_space<vmem_shared>> -> memref<256x192xf32, #tpu.memory_space<vmem_shared>>
    tpu.wait_indirect_dma semaphore(%arg11 : memref<!tpu.dma_semaphore, #tpu.memory_space<semaphore_mem>>) src(%dma_wait3A_23 : memref<256x192xf32, #tpu.memory_space<vmem_shared>>) dst(%arg9 : memref<256x192xf32, #tpu.memory_space<vmem>>)
    %add3A_24 = arith.constant 256 : i32
    %add3A_25 = arith.addi %mul3A_2, %add3A_24 : i32
    "tpu.region"() ({
      %run_scoped3A = tpu.sem_alloc : memref<!tpu.dma_semaphore, #tpu.memory_space<semaphore_mem>>
      %dma_start3A_81 = arith.constant 0 : i32
      %dma_start3A_82 = tpu.memref_slice %arg4[%add3A_25, %dma_start3A_81] : memref<65536x192xf32, #tpu.memory_space<hbm>> -> memref<256x192xf32, #tpu.memory_space<hbm>>
      %dma_start3A_83 = arith.constant 0 : i32
      %dma_start3A_84 = tpu.memref_slice %arg4[%add3A_25, %dma_start3A_83] : memref<65536x192xf32, #tpu.memory_space<hbm>> -> memref<256x192xf32, #tpu.memory_space<hbm>>
      tpu.enqueue_dma source(%arg9 : memref<256x192xf32, #tpu.memory_space<vmem>>) target(%dma_start3A_84 : memref<256x192xf32, #tpu.memory_space<hbm>>) target_semaphore(%run_scoped3A : memref<!tpu.dma_semaphore, #tpu.memory_space<semaphore_mem>>)
      %dma_wait3A_85 = arith.constant 0 : i32
      %dma_wait3A_86 = tpu.memref_slice %arg4[%add3A_25, %dma_wait3A_85] : memref<65536x192xf32, #tpu.memory_space<hbm>> -> memref<256x192xf32, #tpu.memory_space<hbm>>
      %dma_wait3A_87 = arith.constant 0 : i32
      %dma_wait3A_88 = tpu.memref_slice %arg4[%add3A_25, %dma_wait3A_87] : memref<65536x192xf32, #tpu.memory_space<hbm>> -> memref<256x192xf32, #tpu.memory_space<hbm>>
      tpu.wait_dma2 semaphore(%run_scoped3A : memref<!tpu.dma_semaphore, #tpu.memory_space<semaphore_mem>>) src(%arg9 : memref<256x192xf32, #tpu.memory_space<vmem>>) dst(%dma_wait3A_88 : memref<256x192xf32, #tpu.memory_space<hbm>>)
      tpu.yield
    }) : () -> ()
    %add3A_26 = arith.constant 768 : i32
    %add3A_27 = arith.addi %mul3A_2, %add3A_26 : i32
    "tpu.region"() ({
      %run_scoped3A = tpu.sem_alloc : memref<!tpu.dma_semaphore, #tpu.memory_space<semaphore_mem>>
      %dma_start3A_81 = tpu.memref_slice %arg3[%add3A_27] : memref<65536xi32, #tpu.memory_space<hbm>> -> memref<256xi32, #tpu.memory_space<hbm>>
      %dma_start3A_82 = tpu.memref_slice %arg3[%add3A_27] : memref<65536xi32, #tpu.memory_space<hbm>> -> memref<256xi32, #tpu.memory_space<hbm>>
      tpu.enqueue_dma source(%dma_start3A_82 : memref<256xi32, #tpu.memory_space<hbm>>) target(%arg7 : memref<256xi32, #tpu.memory_space<vmem>>) target_semaphore(%run_scoped3A : memref<!tpu.dma_semaphore, #tpu.memory_space<semaphore_mem>>)
      %dma_wait3A_83 = tpu.memref_slice %arg3[%add3A_27] : memref<65536xi32, #tpu.memory_space<hbm>> -> memref<256xi32, #tpu.memory_space<hbm>>
      %dma_wait3A_84 = tpu.memref_slice %arg3[%add3A_27] : memref<65536xi32, #tpu.memory_space<hbm>> -> memref<256xi32, #tpu.memory_space<hbm>>
      tpu.wait_dma2 semaphore(%run_scoped3A : memref<!tpu.dma_semaphore, #tpu.memory_space<semaphore_mem>>) src(%dma_wait3A_84 : memref<256xi32, #tpu.memory_space<hbm>>) dst(%arg7 : memref<256xi32, #tpu.memory_space<vmem>>)
      tpu.yield
    }) : () -> ()
    %dma_start3A_28 = arith.constant 0 : i32
    %dma_start3A_29 = arith.constant 0 : i32
    %dma_start3A_30 = tpu.memref_slice %arg5[%dma_start3A_28, %dma_start3A_29] : memref<256x192xf32, #tpu.memory_space<vmem_shared>> -> memref<256x192xf32, #tpu.memory_space<vmem_shared>>
    tpu.enqueue_indirect_dma source(%dma_start3A_30 : memref<256x192xf32, #tpu.memory_space<vmem_shared>>) target(%arg9 : memref<256x192xf32, #tpu.memory_space<vmem>>) offsets(%arg7 : memref<256xi32, #tpu.memory_space<vmem>>) semaphore(%arg11 : memref<!tpu.dma_semaphore, #tpu.memory_space<semaphore_mem>>)
    %dma_wait3A_31 = arith.constant 0 : i32
    %dma_wait3A_32 = arith.constant 0 : i32
    %dma_wait3A_33 = tpu.memref_slice %arg5[%dma_wait3A_31, %dma_wait3A_32] : memref<256x192xf32, #tpu.memory_space<vmem_shared>> -> memref<256x192xf32, #tpu.memory_space<vmem_shared>>
    tpu.wait_indirect_dma semaphore(%arg10 : memref<!tpu.dma_semaphore, #tpu.memory_space<semaphore_mem>>) src(%dma_wait3A_33 : memref<256x192xf32, #tpu.memory_space<vmem_shared>>) dst(%arg8 : memref<256x192xf32, #tpu.memory_space<vmem>>)
    %add3A_34 = arith.constant 512 : i32
    %add3A_35 = arith.addi %mul3A_2, %add3A_34 : i32
    "tpu.region"() ({
      %run_scoped3A = tpu.sem_alloc : memref<!tpu.dma_semaphore, #tpu.memory_space<semaphore_mem>>
      %dma_start3A_81 = arith.constant 0 : i32
      %dma_start3A_82 = tpu.memref_slice %arg4[%add3A_35, %dma_start3A_81] : memref<65536x192xf32, #tpu.memory_space<hbm>> -> memref<256x192xf32, #tpu.memory_space<hbm>>
      %dma_start3A_83 = arith.constant 0 : i32
      %dma_start3A_84 = tpu.memref_slice %arg4[%add3A_35, %dma_start3A_83] : memref<65536x192xf32, #tpu.memory_space<hbm>> -> memref<256x192xf32, #tpu.memory_space<hbm>>
      tpu.enqueue_dma source(%arg8 : memref<256x192xf32, #tpu.memory_space<vmem>>) target(%dma_start3A_84 : memref<256x192xf32, #tpu.memory_space<hbm>>) target_semaphore(%run_scoped3A : memref<!tpu.dma_semaphore, #tpu.memory_space<semaphore_mem>>)
      %dma_wait3A_85 = arith.constant 0 : i32
      %dma_wait3A_86 = tpu.memref_slice %arg4[%add3A_35, %dma_wait3A_85] : memref<65536x192xf32, #tpu.memory_space<hbm>> -> memref<256x192xf32, #tpu.memory_space<hbm>>
      %dma_wait3A_87 = arith.constant 0 : i32
      %dma_wait3A_88 = tpu.memref_slice %arg4[%add3A_35, %dma_wait3A_87] : memref<65536x192xf32, #tpu.memory_space<hbm>> -> memref<256x192xf32, #tpu.memory_space<hbm>>
      tpu.wait_dma2 semaphore(%run_scoped3A : memref<!tpu.dma_semaphore, #tpu.memory_space<semaphore_mem>>) src(%arg8 : memref<256x192xf32, #tpu.memory_space<vmem>>) dst(%dma_wait3A_88 : memref<256x192xf32, #tpu.memory_space<hbm>>)
      tpu.yield
    }) : () -> ()
    %add3A_36 = arith.constant 1024 : i32
    %add3A_37 = arith.addi %mul3A_2, %add3A_36 : i32
    "tpu.region"() ({
      %run_scoped3A = tpu.sem_alloc : memref<!tpu.dma_semaphore, #tpu.memory_space<semaphore_mem>>
      %dma_start3A_81 = tpu.memref_slice %arg3[%add3A_37] : memref<65536xi32, #tpu.memory_space<hbm>> -> memref<256xi32, #tpu.memory_space<hbm>>
      %dma_start3A_82 = tpu.memref_slice %arg3[%add3A_37] : memref<65536xi32, #tpu.memory_space<hbm>> -> memref<256xi32, #tpu.memory_space<hbm>>
      tpu.enqueue_dma source(%dma_start3A_82 : memref<256xi32, #tpu.memory_space<hbm>>) target(%arg6 : memref<256xi32, #tpu.memory_space<vmem>>) target_semaphore(%run_scoped3A : memref<!tpu.dma_semaphore, #tpu.memory_space<semaphore_mem>>)
      %dma_wait3A_83 = tpu.memref_slice %arg3[%add3A_37] : memref<65536xi32, #tpu.memory_space<hbm>> -> memref<256xi32, #tpu.memory_space<hbm>>
      %dma_wait3A_84 = tpu.memref_slice %arg3[%add3A_37] : memref<65536xi32, #tpu.memory_space<hbm>> -> memref<256xi32, #tpu.memory_space<hbm>>
      tpu.wait_dma2 semaphore(%run_scoped3A : memref<!tpu.dma_semaphore, #tpu.memory_space<semaphore_mem>>) src(%dma_wait3A_84 : memref<256xi32, #tpu.memory_space<hbm>>) dst(%arg6 : memref<256xi32, #tpu.memory_space<vmem>>)
      tpu.yield
    }) : () -> ()
    %dma_start3A_38 = arith.constant 0 : i32
    %dma_start3A_39 = arith.constant 0 : i32
    %dma_start3A_40 = tpu.memref_slice %arg5[%dma_start3A_38, %dma_start3A_39] : memref<256x192xf32, #tpu.memory_space<vmem_shared>> -> memref<256x192xf32, #tpu.memory_space<vmem_shared>>
    tpu.enqueue_indirect_dma source(%dma_start3A_40 : memref<256x192xf32, #tpu.memory_space<vmem_shared>>) target(%arg8 : memref<256x192xf32, #tpu.memory_space<vmem>>) offsets(%arg6 : memref<256xi32, #tpu.memory_space<vmem>>) semaphore(%arg10 : memref<!tpu.dma_semaphore, #tpu.memory_space<semaphore_mem>>)
    %dma_wait3A_41 = arith.constant 0 : i32
    %dma_wait3A_42 = arith.constant 0 : i32
    %dma_wait3A_43 = tpu.memref_slice %arg5[%dma_wait3A_41, %dma_wait3A_42] : memref<256x192xf32, #tpu.memory_space<vmem_shared>> -> memref<256x192xf32, #tpu.memory_space<vmem_shared>>
    tpu.wait_indirect_dma semaphore(%arg11 : memref<!tpu.dma_semaphore, #tpu.memory_space<semaphore_mem>>) src(%dma_wait3A_43 : memref<256x192xf32, #tpu.memory_space<vmem_shared>>) dst(%arg9 : memref<256x192xf32, #tpu.memory_space<vmem>>)
    %add3A_44 = arith.constant 768 : i32
    %add3A_45 = arith.addi %mul3A_2, %add3A_44 : i32
    "tpu.region"() ({
      %run_scoped3A = tpu.sem_alloc : memref<!tpu.dma_semaphore, #tpu.memory_space<semaphore_mem>>
      %dma_start3A_81 = arith.constant 0 : i32
      %dma_start3A_82 = tpu.memref_slice %arg4[%add3A_45, %dma_start3A_81] : memref<65536x192xf32, #tpu.memory_space<hbm>> -> memref<256x192xf32, #tpu.memory_space<hbm>>
      %dma_start3A_83 = arith.constant 0 : i32
      %dma_start3A_84 = tpu.memref_slice %arg4[%add3A_45, %dma_start3A_83] : memref<65536x192xf32, #tpu.memory_space<hbm>> -> memref<256x192xf32, #tpu.memory_space<hbm>>
      tpu.enqueue_dma source(%arg9 : memref<256x192xf32, #tpu.memory_space<vmem>>) target(%dma_start3A_84 : memref<256x192xf32, #tpu.memory_space<hbm>>) target_semaphore(%run_scoped3A : memref<!tpu.dma_semaphore, #tpu.memory_space<semaphore_mem>>)
      %dma_wait3A_85 = arith.constant 0 : i32
      %dma_wait3A_86 = tpu.memref_slice %arg4[%add3A_45, %dma_wait3A_85] : memref<65536x192xf32, #tpu.memory_space<hbm>> -> memref<256x192xf32, #tpu.memory_space<hbm>>
      %dma_wait3A_87 = arith.constant 0 : i32
      %dma_wait3A_88 = tpu.memref_slice %arg4[%add3A_45, %dma_wait3A_87] : memref<65536x192xf32, #tpu.memory_space<hbm>> -> memref<256x192xf32, #tpu.memory_space<hbm>>
      tpu.wait_dma2 semaphore(%run_scoped3A : memref<!tpu.dma_semaphore, #tpu.memory_space<semaphore_mem>>) src(%arg9 : memref<256x192xf32, #tpu.memory_space<vmem>>) dst(%dma_wait3A_88 : memref<256x192xf32, #tpu.memory_space<hbm>>)
      tpu.yield
    }) : () -> ()
    %add3A_46 = arith.constant 1280 : i32
    %add3A_47 = arith.addi %mul3A_2, %add3A_46 : i32
    "tpu.region"() ({
      %run_scoped3A = tpu.sem_alloc : memref<!tpu.dma_semaphore, #tpu.memory_space<semaphore_mem>>
      %dma_start3A_81 = tpu.memref_slice %arg3[%add3A_47] : memref<65536xi32, #tpu.memory_space<hbm>> -> memref<256xi32, #tpu.memory_space<hbm>>
      %dma_start3A_82 = tpu.memref_slice %arg3[%add3A_47] : memref<65536xi32, #tpu.memory_space<hbm>> -> memref<256xi32, #tpu.memory_space<hbm>>
      tpu.enqueue_dma source(%dma_start3A_82 : memref<256xi32, #tpu.memory_space<hbm>>) target(%arg7 : memref<256xi32, #tpu.memory_space<vmem>>) target_semaphore(%run_scoped3A : memref<!tpu.dma_semaphore, #tpu.memory_space<semaphore_mem>>)
      %dma_wait3A_83 = tpu.memref_slice %arg3[%add3A_47] : memref<65536xi32, #tpu.memory_space<hbm>> -> memref<256xi32, #tpu.memory_space<hbm>>
      %dma_wait3A_84 = tpu.memref_slice %arg3[%add3A_47] : memref<65536xi32, #tpu.memory_space<hbm>> -> memref<256xi32, #tpu.memory_space<hbm>>
      tpu.wait_dma2 semaphore(%run_scoped3A : memref<!tpu.dma_semaphore, #tpu.memory_space<semaphore_mem>>) src(%dma_wait3A_84 : memref<256xi32, #tpu.memory_space<hbm>>) dst(%arg7 : memref<256xi32, #tpu.memory_space<vmem>>)
      tpu.yield
    }) : () -> ()
    %dma_start3A_48 = arith.constant 0 : i32
    %dma_start3A_49 = arith.constant 0 : i32
    %dma_start3A_50 = tpu.memref_slice %arg5[%dma_start3A_48, %dma_start3A_49] : memref<256x192xf32, #tpu.memory_space<vmem_shared>> -> memref<256x192xf32, #tpu.memory_space<vmem_shared>>
    tpu.enqueue_indirect_dma source(%dma_start3A_50 : memref<256x192xf32, #tpu.memory_space<vmem_shared>>) target(%arg9 : memref<256x192xf32, #tpu.memory_space<vmem>>) offsets(%arg7 : memref<256xi32, #tpu.memory_space<vmem>>) semaphore(%arg11 : memref<!tpu.dma_semaphore, #tpu.memory_space<semaphore_mem>>)
    %dma_wait3A_51 = arith.constant 0 : i32
    %dma_wait3A_52 = arith.constant 0 : i32
    %dma_wait3A_53 = tpu.memref_slice %arg5[%dma_wait3A_51, %dma_wait3A_52] : memref<256x192xf32, #tpu.memory_space<vmem_shared>> -> memref<256x192xf32, #tpu.memory_space<vmem_shared>>
    tpu.wait_indirect_dma semaphore(%arg10 : memref<!tpu.dma_semaphore, #tpu.memory_space<semaphore_mem>>) src(%dma_wait3A_53 : memref<256x192xf32, #tpu.memory_space<vmem_shared>>) dst(%arg8 : memref<256x192xf32, #tpu.memory_space<vmem>>)
    %add3A_54 = arith.constant 1024 : i32
    %add3A_55 = arith.addi %mul3A_2, %add3A_54 : i32
    "tpu.region"() ({
      %run_scoped3A = tpu.sem_alloc : memref<!tpu.dma_semaphore, #tpu.memory_space<semaphore_mem>>
      %dma_start3A_81 = arith.constant 0 : i32
      %dma_start3A_82 = tpu.memref_slice %arg4[%add3A_55, %dma_start3A_81] : memref<65536x192xf32, #tpu.memory_space<hbm>> -> memref<256x192xf32, #tpu.memory_space<hbm>>
      %dma_start3A_83 = arith.constant 0 : i32
      %dma_start3A_84 = tpu.memref_slice %arg4[%add3A_55, %dma_start3A_83] : memref<65536x192xf32, #tpu.memory_space<hbm>> -> memref<256x192xf32, #tpu.memory_space<hbm>>
      tpu.enqueue_dma source(%arg8 : memref<256x192xf32, #tpu.memory_space<vmem>>) target(%dma_start3A_84 : memref<256x192xf32, #tpu.memory_space<hbm>>) target_semaphore(%run_scoped3A : memref<!tpu.dma_semaphore, #tpu.memory_space<semaphore_mem>>)
      %dma_wait3A_85 = arith.constant 0 : i32
      %dma_wait3A_86 = tpu.memref_slice %arg4[%add3A_55, %dma_wait3A_85] : memref<65536x192xf32, #tpu.memory_space<hbm>> -> memref<256x192xf32, #tpu.memory_space<hbm>>
      %dma_wait3A_87 = arith.constant 0 : i32
      %dma_wait3A_88 = tpu.memref_slice %arg4[%add3A_55, %dma_wait3A_87] : memref<65536x192xf32, #tpu.memory_space<hbm>> -> memref<256x192xf32, #tpu.memory_space<hbm>>
      tpu.wait_dma2 semaphore(%run_scoped3A : memref<!tpu.dma_semaphore, #tpu.memory_space<semaphore_mem>>) src(%arg8 : memref<256x192xf32, #tpu.memory_space<vmem>>) dst(%dma_wait3A_88 : memref<256x192xf32, #tpu.memory_space<hbm>>)
      tpu.yield
    }) : () -> ()
    %add3A_56 = arith.constant 1536 : i32
    %add3A_57 = arith.addi %mul3A_2, %add3A_56 : i32
    "tpu.region"() ({
      %run_scoped3A = tpu.sem_alloc : memref<!tpu.dma_semaphore, #tpu.memory_space<semaphore_mem>>
      %dma_start3A_81 = tpu.memref_slice %arg3[%add3A_57] : memref<65536xi32, #tpu.memory_space<hbm>> -> memref<256xi32, #tpu.memory_space<hbm>>
      %dma_start3A_82 = tpu.memref_slice %arg3[%add3A_57] : memref<65536xi32, #tpu.memory_space<hbm>> -> memref<256xi32, #tpu.memory_space<hbm>>
      tpu.enqueue_dma source(%dma_start3A_82 : memref<256xi32, #tpu.memory_space<hbm>>) target(%arg6 : memref<256xi32, #tpu.memory_space<vmem>>) target_semaphore(%run_scoped3A : memref<!tpu.dma_semaphore, #tpu.memory_space<semaphore_mem>>)
      %dma_wait3A_83 = tpu.memref_slice %arg3[%add3A_57] : memref<65536xi32, #tpu.memory_space<hbm>> -> memref<256xi32, #tpu.memory_space<hbm>>
      %dma_wait3A_84 = tpu.memref_slice %arg3[%add3A_57] : memref<65536xi32, #tpu.memory_space<hbm>> -> memref<256xi32, #tpu.memory_space<hbm>>
      tpu.wait_dma2 semaphore(%run_scoped3A : memref<!tpu.dma_semaphore, #tpu.memory_space<semaphore_mem>>) src(%dma_wait3A_84 : memref<256xi32, #tpu.memory_space<hbm>>) dst(%arg6 : memref<256xi32, #tpu.memory_space<vmem>>)
      tpu.yield
    }) : () -> ()
    %dma_start3A_58 = arith.constant 0 : i32
    %dma_start3A_59 = arith.constant 0 : i32
    %dma_start3A_60 = tpu.memref_slice %arg5[%dma_start3A_58, %dma_start3A_59] : memref<256x192xf32, #tpu.memory_space<vmem_shared>> -> memref<256x192xf32, #tpu.memory_space<vmem_shared>>
    tpu.enqueue_indirect_dma source(%dma_start3A_60 : memref<256x192xf32, #tpu.memory_space<vmem_shared>>) target(%arg8 : memref<256x192xf32, #tpu.memory_space<vmem>>) offsets(%arg6 : memref<256xi32, #tpu.memory_space<vmem>>) semaphore(%arg10 : memref<!tpu.dma_semaphore, #tpu.memory_space<semaphore_mem>>)
    %dma_wait3A_61 = arith.constant 0 : i32
    %dma_wait3A_62 = arith.constant 0 : i32
    %dma_wait3A_63 = tpu.memref_slice %arg5[%dma_wait3A_61, %dma_wait3A_62] : memref<256x192xf32, #tpu.memory_space<vmem_shared>> -> memref<256x192xf32, #tpu.memory_space<vmem_shared>>
    tpu.wait_indirect_dma semaphore(%arg11 : memref<!tpu.dma_semaphore, #tpu.memory_space<semaphore_mem>>) src(%dma_wait3A_63 : memref<256x192xf32, #tpu.memory_space<vmem_shared>>) dst(%arg9 : memref<256x192xf32, #tpu.memory_space<vmem>>)
    %add3A_64 = arith.constant 1280 : i32
    %add3A_65 = arith.addi %mul3A_2, %add3A_64 : i32
    "tpu.region"() ({
      %run_scoped3A = tpu.sem_alloc : memref<!tpu.dma_semaphore, #tpu.memory_space<semaphore_mem>>
      %dma_start3A_81 = arith.constant 0 : i32
      %dma_start3A_82 = tpu.memref_slice %arg4[%add3A_65, %dma_start3A_81] : memref<65536x192xf32, #tpu.memory_space<hbm>> -> memref<256x192xf32, #tpu.memory_space<hbm>>
      %dma_start3A_83 = arith.constant 0 : i32
      %dma_start3A_84 = tpu.memref_slice %arg4[%add3A_65, %dma_start3A_83] : memref<65536x192xf32, #tpu.memory_space<hbm>> -> memref<256x192xf32, #tpu.memory_space<hbm>>
      tpu.enqueue_dma source(%arg9 : memref<256x192xf32, #tpu.memory_space<vmem>>) target(%dma_start3A_84 : memref<256x192xf32, #tpu.memory_space<hbm>>) target_semaphore(%run_scoped3A : memref<!tpu.dma_semaphore, #tpu.memory_space<semaphore_mem>>)
      %dma_wait3A_85 = arith.constant 0 : i32
      %dma_wait3A_86 = tpu.memref_slice %arg4[%add3A_65, %dma_wait3A_85] : memref<65536x192xf32, #tpu.memory_space<hbm>> -> memref<256x192xf32, #tpu.memory_space<hbm>>
      %dma_wait3A_87 = arith.constant 0 : i32
      %dma_wait3A_88 = tpu.memref_slice %arg4[%add3A_65, %dma_wait3A_87] : memref<65536x192xf32, #tpu.memory_space<hbm>> -> memref<256x192xf32, #tpu.memory_space<hbm>>
      tpu.wait_dma2 semaphore(%run_scoped3A : memref<!tpu.dma_semaphore, #tpu.memory_space<semaphore_mem>>) src(%arg9 : memref<256x192xf32, #tpu.memory_space<vmem>>) dst(%dma_wait3A_88 : memref<256x192xf32, #tpu.memory_space<hbm>>)
      tpu.yield
    }) : () -> ()
    %add3A_66 = arith.constant 1792 : i32
    %add3A_67 = arith.addi %mul3A_2, %add3A_66 : i32
    "tpu.region"() ({
      %run_scoped3A = tpu.sem_alloc : memref<!tpu.dma_semaphore, #tpu.memory_space<semaphore_mem>>
      %dma_start3A_81 = tpu.memref_slice %arg3[%add3A_67] : memref<65536xi32, #tpu.memory_space<hbm>> -> memref<256xi32, #tpu.memory_space<hbm>>
      %dma_start3A_82 = tpu.memref_slice %arg3[%add3A_67] : memref<65536xi32, #tpu.memory_space<hbm>> -> memref<256xi32, #tpu.memory_space<hbm>>
      tpu.enqueue_dma source(%dma_start3A_82 : memref<256xi32, #tpu.memory_space<hbm>>) target(%arg7 : memref<256xi32, #tpu.memory_space<vmem>>) target_semaphore(%run_scoped3A : memref<!tpu.dma_semaphore, #tpu.memory_space<semaphore_mem>>)
      %dma_wait3A_83 = tpu.memref_slice %arg3[%add3A_67] : memref<65536xi32, #tpu.memory_space<hbm>> -> memref<256xi32, #tpu.memory_space<hbm>>
      %dma_wait3A_84 = tpu.memref_slice %arg3[%add3A_67] : memref<65536xi32, #tpu.memory_space<hbm>> -> memref<256xi32, #tpu.memory_space<hbm>>
      tpu.wait_dma2 semaphore(%run_scoped3A : memref<!tpu.dma_semaphore, #tpu.memory_space<semaphore_mem>>) src(%dma_wait3A_84 : memref<256xi32, #tpu.memory_space<hbm>>) dst(%arg7 : memref<256xi32, #tpu.memory_space<vmem>>)
      tpu.yield
    }) : () -> ()
    %dma_start3A_68 = arith.constant 0 : i32
    %dma_start3A_69 = arith.constant 0 : i32
    %dma_start3A_70 = tpu.memref_slice %arg5[%dma_start3A_68, %dma_start3A_69] : memref<256x192xf32, #tpu.memory_space<vmem_shared>> -> memref<256x192xf32, #tpu.memory_space<vmem_shared>>
    tpu.enqueue_indirect_dma source(%dma_start3A_70 : memref<256x192xf32, #tpu.memory_space<vmem_shared>>) target(%arg9 : memref<256x192xf32, #tpu.memory_space<vmem>>) offsets(%arg7 : memref<256xi32, #tpu.memory_space<vmem>>) semaphore(%arg11 : memref<!tpu.dma_semaphore, #tpu.memory_space<semaphore_mem>>)
    %dma_wait3A_71 = arith.constant 0 : i32
    %dma_wait3A_72 = arith.constant 0 : i32
    %dma_wait3A_73 = tpu.memref_slice %arg5[%dma_wait3A_71, %dma_wait3A_72] : memref<256x192xf32, #tpu.memory_space<vmem_shared>> -> memref<256x192xf32, #tpu.memory_space<vmem_shared>>
    tpu.wait_indirect_dma semaphore(%arg10 : memref<!tpu.dma_semaphore, #tpu.memory_space<semaphore_mem>>) src(%dma_wait3A_73 : memref<256x192xf32, #tpu.memory_space<vmem_shared>>) dst(%arg8 : memref<256x192xf32, #tpu.memory_space<vmem>>)
    %add3A_74 = arith.constant 1536 : i32
    %add3A_75 = arith.addi %mul3A_2, %add3A_74 : i32
    "tpu.region"() ({
      %run_scoped3A = tpu.sem_alloc : memref<!tpu.dma_semaphore, #tpu.memory_space<semaphore_mem>>
      %dma_start3A_81 = arith.constant 0 : i32
      %dma_start3A_82 = tpu.memref_slice %arg4[%add3A_75, %dma_start3A_81] : memref<65536x192xf32, #tpu.memory_space<hbm>> -> memref<256x192xf32, #tpu.memory_space<hbm>>
      %dma_start3A_83 = arith.constant 0 : i32
      %dma_start3A_84 = tpu.memref_slice %arg4[%add3A_75, %dma_start3A_83] : memref<65536x192xf32, #tpu.memory_space<hbm>> -> memref<256x192xf32, #tpu.memory_space<hbm>>
      tpu.enqueue_dma source(%arg8 : memref<256x192xf32, #tpu.memory_space<vmem>>) target(%dma_start3A_84 : memref<256x192xf32, #tpu.memory_space<hbm>>) target_semaphore(%run_scoped3A : memref<!tpu.dma_semaphore, #tpu.memory_space<semaphore_mem>>)
      %dma_wait3A_85 = arith.constant 0 : i32
      %dma_wait3A_86 = tpu.memref_slice %arg4[%add3A_75, %dma_wait3A_85] : memref<65536x192xf32, #tpu.memory_space<hbm>> -> memref<256x192xf32, #tpu.memory_space<hbm>>
      %dma_wait3A_87 = arith.constant 0 : i32
      %dma_wait3A_88 = tpu.memref_slice %arg4[%add3A_75, %dma_wait3A_87] : memref<65536x192xf32, #tpu.memory_space<hbm>> -> memref<256x192xf32, #tpu.memory_space<hbm>>
      tpu.wait_dma2 semaphore(%run_scoped3A : memref<!tpu.dma_semaphore, #tpu.memory_space<semaphore_mem>>) src(%arg8 : memref<256x192xf32, #tpu.memory_space<vmem>>) dst(%dma_wait3A_88 : memref<256x192xf32, #tpu.memory_space<hbm>>)
      tpu.yield
    }) : () -> ()
    %dma_wait3A_76 = arith.constant 0 : i32
    %dma_wait3A_77 = arith.constant 0 : i32
    %dma_wait3A_78 = tpu.memref_slice %arg5[%dma_wait3A_76, %dma_wait3A_77] : memref<256x192xf32, #tpu.memory_space<vmem_shared>> -> memref<256x192xf32, #tpu.memory_space<vmem_shared>>
    tpu.wait_indirect_dma semaphore(%arg11 : memref<!tpu.dma_semaphore, #tpu.memory_space<semaphore_mem>>) src(%dma_wait3A_78 : memref<256x192xf32, #tpu.memory_space<vmem_shared>>) dst(%arg9 : memref<256x192xf32, #tpu.memory_space<vmem>>)
    %add3A_79 = arith.constant 1792 : i32
    %add3A_80 = arith.addi %mul3A_2, %add3A_79 : i32
    "tpu.region"() ({
      %run_scoped3A = tpu.sem_alloc : memref<!tpu.dma_semaphore, #tpu.memory_space<semaphore_mem>>
      %dma_start3A_81 = arith.constant 0 : i32
      %dma_start3A_82 = tpu.memref_slice %arg4[%add3A_80, %dma_start3A_81] : memref<65536x192xf32, #tpu.memory_space<hbm>> -> memref<256x192xf32, #tpu.memory_space<hbm>>
      %dma_start3A_83 = arith.constant 0 : i32
      %dma_start3A_84 = tpu.memref_slice %arg4[%add3A_80, %dma_start3A_83] : memref<65536x192xf32, #tpu.memory_space<hbm>> -> memref<256x192xf32, #tpu.memory_space<hbm>>
      tpu.enqueue_dma source(%arg9 : memref<256x192xf32, #tpu.memory_space<vmem>>) target(%dma_start3A_84 : memref<256x192xf32, #tpu.memory_space<hbm>>) target_semaphore(%run_scoped3A : memref<!tpu.dma_semaphore, #tpu.memory_space<semaphore_mem>>)
      %dma_wait3A_85 = arith.constant 0 : i32
      %dma_wait3A_86 = tpu.memref_slice %arg4[%add3A_80, %dma_wait3A_85] : memref<65536x192xf32, #tpu.memory_space<hbm>> -> memref<256x192xf32, #tpu.memory_space<hbm>>
      %dma_wait3A_87 = arith.constant 0 : i32
      %dma_wait3A_88 = tpu.memref_slice %arg4[%add3A_80, %dma_wait3A_87] : memref<65536x192xf32, #tpu.memory_space<hbm>> -> memref<256x192xf32, #tpu.memory_space<hbm>>
      tpu.wait_dma2 semaphore(%run_scoped3A : memref<!tpu.dma_semaphore, #tpu.memory_space<semaphore_mem>>) src(%arg9 : memref<256x192xf32, #tpu.memory_space<vmem>>) dst(%dma_wait3A_88 : memref<256x192xf32, #tpu.memory_space<hbm>>)
      tpu.yield
    }) : () -> ()
    return
  }
}

module attributes {stable_mosaic.version = 14 : i64} {
  func.func @_tc_body(%arg0: i32, %arg1: memref<2048x192xf32, #tpu.memory_space<vmem>>, %arg2: memref<128x192xf32, #tpu.memory_space<vmem>>, %arg3: memref<1x128xf32, #tpu.memory_space<vmem>>, %arg4: memref<32x128xf32, #tpu.memory_space<vmem>>, %arg5: memref<1x32xf32, #tpu.memory_space<vmem>>, %arg6: memref<256x32xf32, #tpu.memory_space<vmem>>, %arg7: memref<128x32xf32, #tpu.memory_space<vmem>>, %arg8: memref<1x128xf32, #tpu.memory_space<vmem>>, %arg9: memref<192x128xf32, #tpu.memory_space<vmem>>, %arg10: memref<1x192xf32, #tpu.memory_space<vmem>>, %arg11: memref<2048x1xi32, #tpu.memory_space<vmem>>, %arg12: memref<256x192xf32, #tpu.memory_space<vmem>>) attributes {dimension_semantics = [#tpu.dimension_semantics<arbitrary>], iteration_bounds = array<i64: 32>, scalar_prefetch = 0 : i64, scratch_operands = 0 : i64, tpu.core_type = #tpu.core_type<tc>, window_params = [{transform_indices = @transform_0, window_bounds = array<i64: 2048, 192>}, {pipeline_mode = #tpu.pipeline_mode<synchronous>, transform_indices = @transform_1, window_bounds = array<i64: 128, 192>}, {pipeline_mode = #tpu.pipeline_mode<synchronous>, transform_indices = @transform_2, window_bounds = array<i64: 1, 128>}, {pipeline_mode = #tpu.pipeline_mode<synchronous>, transform_indices = @transform_3, window_bounds = array<i64: 32, 128>}, {pipeline_mode = #tpu.pipeline_mode<synchronous>, transform_indices = @transform_4, window_bounds = array<i64: 1, 32>}, {pipeline_mode = #tpu.pipeline_mode<synchronous>, transform_indices = @transform_5, window_bounds = array<i64: 256, 32>}, {pipeline_mode = #tpu.pipeline_mode<synchronous>, transform_indices = @transform_6, window_bounds = array<i64: 128, 32>}, {pipeline_mode = #tpu.pipeline_mode<synchronous>, transform_indices = @transform_7, window_bounds = array<i64: 1, 128>}, {pipeline_mode = #tpu.pipeline_mode<synchronous>, transform_indices = @transform_8, window_bounds = array<i64: 192, 128>}, {pipeline_mode = #tpu.pipeline_mode<synchronous>, transform_indices = @transform_9, window_bounds = array<i64: 1, 192>}, {transform_indices = @transform_10, window_bounds = array<i64: 2048, 1>}, {pipeline_mode = #tpu.pipeline_mode<synchronous>, transform_indices = @transform_11, window_bounds = array<i64: 256, 192>}]} {
    %eq3A = arith.constant 0 : i32
    %eq3A_0 = arith.cmpi eq, %arg0, %eq3A : i32
    %convert_element_type3A = arith.extui %eq3A_0 : i1 to i32
    %cond3A = arith.constant 0 : i32
    %cond3A_1 = arith.cmpi ne, %convert_element_type3A, %cond3A : i32
    scf.if %cond3A_1 {
      %get3A_55 = arith.constant 0 : index
      %get3A_56 = arith.constant 0 : index
      %get3A_57 = vector.load %arg6[%get3A_55, %get3A_56] : memref<256x32xf32, #tpu.memory_space<vmem>>, vector<256x32xf32>
      %get3A_58 = arith.constant 0 : index
      %get3A_59 = arith.constant 0 : index
      %get3A_60 = vector.load %arg7[%get3A_58, %get3A_59] : memref<128x32xf32, #tpu.memory_space<vmem>>, vector<128x32xf32>
      %convert_element_type3A_61 = arith.truncf %get3A_57 : vector<256x32xf32> to vector<256x32xbf16>
      %convert_element_type3A_62 = arith.truncf %get3A_60 : vector<128x32xf32> to vector<128x32xbf16>
      %dot_general3A_63 = arith.constant dense<0.000000e+00> : vector<256x128xf32>
      %dot_general3A_64 = tpu.matmul %convert_element_type3A_61, %convert_element_type3A_62, %dot_general3A_63 {dimension_numbers = #tpu.dot_dimension_numbers<[1], [1], [0], [0], [0, 0, 1, 0], [], []>, transpose_lhs_hint = false} : vector<256x32xbf16>, vector<128x32xbf16>, vector<256x128xf32> -> vector<256x128xf32>
      %get3A_65 = arith.constant 0 : index
      %get3A_66 = arith.constant 0 : index
      %get3A_67 = vector.load %arg8[%get3A_65, %get3A_66] : memref<1x128xf32, #tpu.memory_space<vmem>>, vector<1x128xf32>
      %add3A_68 = vector.broadcast %get3A_67 : vector<1x128xf32> to vector<256x128xf32>
      %add3A_69 = arith.addf %dot_general3A_64, %add3A_68 : vector<256x128xf32>
      %get3A_70 = arith.constant 0 : index
      %get3A_71 = arith.constant 0 : index
      %get3A_72 = vector.load %arg9[%get3A_70, %get3A_71] : memref<192x128xf32, #tpu.memory_space<vmem>>, vector<192x128xf32>
      %convert_element_type3A_73 = arith.truncf %add3A_69 : vector<256x128xf32> to vector<256x128xbf16>
      %convert_element_type3A_74 = arith.truncf %get3A_72 : vector<192x128xf32> to vector<192x128xbf16>
      %dot_general3A_75 = arith.constant dense<0.000000e+00> : vector<256x192xf32>
      %dot_general3A_76 = tpu.matmul %convert_element_type3A_73, %convert_element_type3A_74, %dot_general3A_75 {dimension_numbers = #tpu.dot_dimension_numbers<[1], [1], [0], [0], [0, 0, 1, 0], [], []>, transpose_lhs_hint = false} : vector<256x128xbf16>, vector<192x128xbf16>, vector<256x192xf32> -> vector<256x192xf32>
      %get3A_77 = arith.constant 0 : index
      %get3A_78 = arith.constant 0 : index
      %get3A_79 = vector.load %arg10[%get3A_77, %get3A_78] : memref<1x192xf32, #tpu.memory_space<vmem>>, vector<1x192xf32>
      %add3A_80 = vector.broadcast %get3A_79 : vector<1x192xf32> to vector<256x192xf32>
      %add3A_81 = arith.addf %dot_general3A_76, %add3A_80 : vector<256x192xf32>
      %jit3A_82 = arith.constant -1.000000e+00 : f32
      %jit3A_83 = arith.constant 1.000000e+00 : f32
      %max3A = vector.broadcast %jit3A_82 : f32 to vector<256x192xf32>
      %max3A_84 = arith.maximumf %max3A, %add3A_81 : vector<256x192xf32>
      %min3A = vector.broadcast %jit3A_83 : f32 to vector<256x192xf32>
      %min3A_85 = arith.minimumf %min3A, %max3A_84 : vector<256x192xf32>
      %swap3A_86 = arith.constant 0 : index
      %swap3A_87 = arith.constant 0 : index
      %swap3A_88 = vector.load %arg12[%swap3A_86, %swap3A_87] : memref<256x192xf32, #tpu.memory_space<vmem>>, vector<256x192xf32>
      tpu.vector_store %arg12[%swap3A_86, %swap3A_87], %min3A_85 {strides = array<i32>} : memref<256x192xf32, #tpu.memory_space<vmem>>, vector<256x192xf32>,
    } else {
    }
    %get3A = arith.constant 0 : index
    %get3A_2 = arith.constant 0 : index
    %get3A_3 = vector.load %arg1[%get3A, %get3A_2] : memref<2048x192xf32, #tpu.memory_space<vmem>>, vector<2048x192xf32>
    %get3A_4 = arith.constant 0 : index
    %get3A_5 = arith.constant 0 : index
    %get3A_6 = vector.load %arg2[%get3A_4, %get3A_5] : memref<128x192xf32, #tpu.memory_space<vmem>>, vector<128x192xf32>
    %convert_element_type3A_7 = arith.truncf %get3A_3 : vector<2048x192xf32> to vector<2048x192xbf16>
    %convert_element_type3A_8 = arith.truncf %get3A_6 : vector<128x192xf32> to vector<128x192xbf16>
    %dot_general3A = arith.constant dense<0.000000e+00> : vector<2048x128xf32>
    %dot_general3A_9 = tpu.matmul %convert_element_type3A_7, %convert_element_type3A_8, %dot_general3A {dimension_numbers = #tpu.dot_dimension_numbers<[1], [1], [0], [0], [0, 0, 1, 0], [], []>, transpose_lhs_hint = false} : vector<2048x192xbf16>, vector<128x192xbf16>, vector<2048x128xf32> -> vector<2048x128xf32>
    %get3A_10 = arith.constant 0 : index
    %get3A_11 = arith.constant 0 : index
    %get3A_12 = vector.load %arg3[%get3A_10, %get3A_11] : memref<1x128xf32, #tpu.memory_space<vmem>>, vector<1x128xf32>
    %add3A = vector.broadcast %get3A_12 : vector<1x128xf32> to vector<2048x128xf32>
    %add3A_13 = arith.addf %dot_general3A_9, %add3A : vector<2048x128xf32>
    %get3A_14 = arith.constant 0 : index
    %get3A_15 = arith.constant 0 : index
    %get3A_16 = vector.load %arg4[%get3A_14, %get3A_15] : memref<32x128xf32, #tpu.memory_space<vmem>>, vector<32x128xf32>
    %convert_element_type3A_17 = arith.truncf %add3A_13 : vector<2048x128xf32> to vector<2048x128xbf16>
    %convert_element_type3A_18 = arith.truncf %get3A_16 : vector<32x128xf32> to vector<32x128xbf16>
    %dot_general3A_19 = arith.constant dense<0.000000e+00> : vector<2048x32xf32>
    %dot_general3A_20 = tpu.matmul %convert_element_type3A_17, %convert_element_type3A_18, %dot_general3A_19 {dimension_numbers = #tpu.dot_dimension_numbers<[1], [1], [0], [0], [0, 0, 1, 0], [], []>, transpose_lhs_hint = false} : vector<2048x128xbf16>, vector<32x128xbf16>, vector<2048x32xf32> -> vector<2048x32xf32>
    %get3A_21 = arith.constant 0 : index
    %get3A_22 = arith.constant 0 : index
    %get3A_23 = vector.load %arg5[%get3A_21, %get3A_22] : memref<1x32xf32, #tpu.memory_space<vmem>>, vector<1x32xf32>
    %add3A_24 = vector.broadcast %get3A_23 : vector<1x32xf32> to vector<2048x32xf32>
    %add3A_25 = arith.addf %dot_general3A_20, %add3A_24 : vector<2048x32xf32>
    %get3A_26 = arith.constant 0 : index
    %get3A_27 = arith.constant 0 : index
    %get3A_28 = vector.load %arg6[%get3A_26, %get3A_27] : memref<256x32xf32, #tpu.memory_space<vmem>>, vector<256x32xf32>
    %convert_element_type3A_29 = arith.truncf %add3A_25 : vector<2048x32xf32> to vector<2048x32xbf16>
    %convert_element_type3A_30 = arith.truncf %get3A_28 : vector<256x32xf32> to vector<256x32xbf16>
    %dot_general3A_31 = arith.constant dense<0.000000e+00> : vector<2048x256xf32>
    %dot_general3A_32 = tpu.matmul %convert_element_type3A_29, %convert_element_type3A_30, %dot_general3A_31 {dimension_numbers = #tpu.dot_dimension_numbers<[1], [1], [0], [0], [0, 0, 1, 0], [], []>, transpose_lhs_hint = false} : vector<2048x32xbf16>, vector<256x32xbf16>, vector<2048x256xf32> -> vector<2048x256xf32>
    %mul3A = arith.mulf %add3A_25, %add3A_25 : vector<2048x32xf32>
    %reduce_sum3A = arith.constant dense<0.000000e+00> : vector<2048xf32>
    %reduce_sum3A_33 = vector.multi_reduction <add>, %mul3A, %reduce_sum3A [1] : vector<2048x32xf32> to vector<2048xf32>
    %broadcast_in_dim3A = vector.shape_cast %reduce_sum3A_33 : vector<2048xf32> to vector<2048x1xf32>
    %broadcast_in_dim3A_34 = arith.constant 1.000000e+00 : f32
    %broadcast_in_dim3A_35 = vector.broadcast %broadcast_in_dim3A_34 : f32 to vector<1x32xf32>
    %mul3A_36 = arith.mulf %get3A_28, %get3A_28 : vector<256x32xf32>
    %dot_general3A_37 = arith.constant dense<0.000000e+00> : vector<1x256xf32>
    %dot_general3A_38 = tpu.matmul %broadcast_in_dim3A_35, %mul3A_36, %dot_general3A_37 {dimension_numbers = #tpu.dot_dimension_numbers<[1], [1], [0], [0], [0, 0, 1, 0], [], []>, precision = #tpu.contract_precision<fp32>, transpose_lhs_hint = false} : vector<1x32xf32>, vector<256x32xf32>, vector<1x256xf32> -> vector<1x256xf32>
    %mul3A_39 = arith.constant 2.000000e+00 : f32
    %mul3A_40 = vector.broadcast %mul3A_39 : f32 to vector<2048x256xf32>
    %mul3A_41 = arith.mulf %mul3A_40, %dot_general3A_32 : vector<2048x256xf32>
    %sub3A = vector.broadcast %broadcast_in_dim3A : vector<2048x1xf32> to vector<2048x256xf32>
    %sub3A_42 = arith.subf %sub3A, %mul3A_41 : vector<2048x256xf32>
    %add3A_43 = vector.broadcast %dot_general3A_38 : vector<1x256xf32> to vector<2048x256xf32>
    %add3A_44 = arith.addf %sub3A_42, %add3A_43 : vector<2048x256xf32>
    %reduce_min3A = arith.constant dense<0x7F800000> : vector<2048xf32>
    %reduce_min3A_45 = vector.multi_reduction <minimumf>, %add3A_44, %reduce_min3A [1] : vector<2048x256xf32> to vector<2048xf32>
    %broadcast_in_dim3A_46 = vector.shape_cast %reduce_min3A_45 : vector<2048xf32> to vector<2048x1xf32>
    %iota3A = tpu.iota {dimensions = array<i32: 1>} : vector<2048x256xi32>
    %eq3A_47 = vector.broadcast %broadcast_in_dim3A_46 : vector<2048x1xf32> to vector<2048x256xf32>
    %eq3A_48 = arith.cmpf oeq, %add3A_44, %eq3A_47 : vector<2048x256xf32>
    %jit3A = arith.constant 256 : i32
    %broadcast_in_dim3A_49 = vector.broadcast %jit3A : i32 to vector<2048x256xi32>
    %select_n3A = arith.select %eq3A_48, %iota3A, %broadcast_in_dim3A_49 : vector<2048x256xi1>, vector<2048x256xi32>
    %reduce_min3A_50 = arith.constant dense<2147483647> : vector<2048xi32>
    %reduce_min3A_51 = vector.multi_reduction <minsi>, %select_n3A, %reduce_min3A_50 [1] : vector<2048x256xi32> to vector<2048xi32>
    %broadcast_in_dim3A_52 = vector.shape_cast %reduce_min3A_51 : vector<2048xi32> to vector<2048x1xi32>
    %swap3A = arith.constant 0 : index
    %swap3A_53 = arith.constant 0 : index
    %swap3A_54 = vector.load %arg11[%swap3A, %swap3A_53] : memref<2048x1xi32, #tpu.memory_space<vmem>>, vector<2048x1xi32>
    tpu.vector_store %arg11[%swap3A, %swap3A_53], %broadcast_in_dim3A_52 {strides = array<i32>} : memref<2048x1xi32, #tpu.memory_space<vmem>>, vector<2048x1xi32>,
    return
  }
  func.func @transform_0(%arg0: i32) -> (i32, i32) {
    %c0_i32 = arith.constant 0 : i32
    %c0_i32_0 = arith.constant 0 : i32
    return %arg0, %c0_i32 : i32, i32
  }
  func.func @transform_1(%arg0: i32) -> (i32, i32) {
    %c0_i32 = arith.constant 0 : i32
    %c0_i32_0 = arith.constant 0 : i32
    %c0_i32_1 = arith.constant 0 : i32
    return %c0_i32, %c0_i32_0 : i32, i32
  }
  func.func @transform_2(%arg0: i32) -> (i32, i32) {
    %c0_i32 = arith.constant 0 : i32
    %c0_i32_0 = arith.constant 0 : i32
    %c0_i32_1 = arith.constant 0 : i32
    return %c0_i32, %c0_i32_0 : i32, i32
  }
  func.func @transform_3(%arg0: i32) -> (i32, i32) {
    %c0_i32 = arith.constant 0 : i32
    %c0_i32_0 = arith.constant 0 : i32
    %c0_i32_1 = arith.constant 0 : i32
    return %c0_i32, %c0_i32_0 : i32, i32
  }
  func.func @transform_4(%arg0: i32) -> (i32, i32) {
    %c0_i32 = arith.constant 0 : i32
    %c0_i32_0 = arith.constant 0 : i32
    %c0_i32_1 = arith.constant 0 : i32
    return %c0_i32, %c0_i32_0 : i32, i32
  }
  func.func @transform_5(%arg0: i32) -> (i32, i32) {
    %c0_i32 = arith.constant 0 : i32
    %c0_i32_0 = arith.constant 0 : i32
    %c0_i32_1 = arith.constant 0 : i32
    return %c0_i32, %c0_i32_0 : i32, i32
  }
  func.func @transform_6(%arg0: i32) -> (i32, i32) {
    %c0_i32 = arith.constant 0 : i32
    %c0_i32_0 = arith.constant 0 : i32
    %c0_i32_1 = arith.constant 0 : i32
    return %c0_i32, %c0_i32_0 : i32, i32
  }
  func.func @transform_7(%arg0: i32) -> (i32, i32) {
    %c0_i32 = arith.constant 0 : i32
    %c0_i32_0 = arith.constant 0 : i32
    %c0_i32_1 = arith.constant 0 : i32
    return %c0_i32, %c0_i32_0 : i32, i32
  }
  func.func @transform_8(%arg0: i32) -> (i32, i32) {
    %c0_i32 = arith.constant 0 : i32
    %c0_i32_0 = arith.constant 0 : i32
    %c0_i32_1 = arith.constant 0 : i32
    return %c0_i32, %c0_i32_0 : i32, i32
  }
  func.func @transform_9(%arg0: i32) -> (i32, i32) {
    %c0_i32 = arith.constant 0 : i32
    %c0_i32_0 = arith.constant 0 : i32
    %c0_i32_1 = arith.constant 0 : i32
    return %c0_i32, %c0_i32_0 : i32, i32
  }
  func.func @transform_10(%arg0: i32) -> (i32, i32) {
    %c0_i32 = arith.constant 0 : i32
    %c0_i32_0 = arith.constant 0 : i32
    return %arg0, %c0_i32 : i32, i32
  }
  func.func @transform_11(%arg0: i32) -> (i32, i32) {
    %c0_i32 = arith.constant 0 : i32
    %c0_i32_0 = arith.constant 0 : i32
    %c0_i32_1 = arith.constant 0 : i32
    return %c0_i32, %c0_i32_0 : i32, i32
  }
}

</mosaic_0001>

<sc_bundles>
// kernel: kernel.4.cloned.1.call-start
scs
__scs_entry_jumppad:
0x0: {  	(pc) =	sbr.rel $0x88, $3  }
0x1: {  	(tag) =	ssettag $0x0;
	lr =	simm.s32 $0x1  }
0x2: {  	[smem:$0x3F97] =	sst lr;
	_ =	strace $0xD0000000  }
0x3: {  	_ = 	snop  }
0x4: {  	_ = 	snop  }
0x5: {  	_ = 	snop  }
0x6: {  	_ = 	snop  }
0x7: {  	_ = 	snop  }
__scs_overlays_trampoline_lowered:
0x8: {  	[smem:$0x3FA6] =	sst s0  }
0x9: {  	[smem:$0x3FA7] =	sst s1  }
0xa: {  	[smem:$0x3FA8] =	sst s2  }
0xb: {  	[smem:$0x3FA9] =	sst s3  }
0xc: {  	[smem:$0x3FAA] =	sst s4  }
0xd: {  	[smem:$0x3FAB] =	sst s5  }
0xe: {  	[smem:$0x3FAC] =	sst s6  }
0xf: {  	[smem:$0x3FAD] =	sst s7  }
0x10: {  	[smem:$0x3FAE] =	sst s8  }
0x11: {  	[smem:$0x3FAF] =	sst s9;
	s0 =	simm.s32 @!p0 $0x0  }
0x12: {  	s1 =	sld [smem:$0x3F95];
	s0 =	simm.s32 @p0 $0x1  }
0x13: {  	[smem:$0x3FB0] =	sst s0;
	s0 =	simm.s32 @!p1 $0x0  }
0x14: {  	s2 =	sld [smem:$0x3F94];
	s0 =	simm.s32 @p1 $0x1  }
0x15: {  	[smem:$0x3FB1] =	sst s0;
	s0 =	simm.s32 @!p2 $0x0  }
0x16: {  	s3 =	sld [smem:$0x3FDB];
	s0 =	simm.s32 @p2 $0x1  }
0x17: {  	s4 =	simm.s32 $0x1BF5;
	[smem:$0x3FB3] =	sst s0  }
0x18: {  	s0 =	sld [smem:$0x3F96];
	_ =	swait.ge [sflag:s4], $0x0  }
0x19: {  	s7 =	sld [smem:$0x3F97]  }
0x1a: {  	s8 =	sadd.s32 $0xFFFFE003, lr  }
0x1b: {  	s9 =	sadd.s32 $0xFFFFFEF7, lr;
	s5 =	simm.s32 $0xFFFFFFFF;
	p2 =	slt.u32 s8, $0xFFFFF086  }
0x1c: {  	p1 =	slt.u32 s9, $0xF7A;
	s5 =	simm.s32 @!p2 $0x0  }
0x1d: {  	s5 =	simm.s32 @p1 $0x1;
	p0 =	seq.s32 s7, s2  }
0x1e: {  	s7 =	smul.u32 @!p0 $0xF7A, s2;
	p2 =	seq.s32 @!p0 s5, $0x0  }
0x1f: {  	s9 =	smul.u32 $0xF7A, s1;
	s8 =	simm.s32 @!p0 $0x1BF5;
	p2 =	por !p2, p0  }
0x20: {  	[sflag:s8] =	ssyncset.s32 @!p0 $0xFFFFF086;
	s6 =	sadd.s32 @!p0 s3, s7;
	s7 =	simm.s32 @!p0 $0x108  }
0x21: {  	s3 =	sadd.s32 s3, s9;
	s6 =	sadd.s32 @!p0 $0x88, s6;
	s7 =	simm.s32 @p2 $0x1082  }
0x22: {  	[simem:s7], [sflag:s8] =	dma.local @!p0 [hbm:s6], $0xF7A  }
0x23: {  	s9 =	sor.u32 $0xD0000000, s2;
	s6 =	simm.s32 $0x108;
	_ =	swait.ge @!p0 [sflag:s8], $0x0  }
0x24: {  	s3 =	sadd.s32 $0x88, s3;
	s6 =	simm.s32 @!p1 $0x1082;
	[sflag:s4] =	ssyncset.s32 $0xFFFFF086  }
0x25: {  	[simem:s6], [sflag:s4] =	dma.local [hbm:s3], $0xF7A  }
0x26: {  	[smem:$0x3F97] =	sst s1;
	(tag) =	ssettag s2;
	_ =	strace s9  }
0x27: {  	s1 =	sld [smem:$0x3FA7]  }
0x28: {  	s2 =	sld [smem:$0x3FA8]  }
0x29: {  	s4 =	sld [smem:$0x3FAA]  }
0x2a: {  	p0 =	seq.s32 s5, $0x0;
	s5 =	sld [smem:$0x3FAB]  }
0x2b: {  	s6 =	sld [smem:$0x3FAC]  }
0x2c: {  	s7 =	sld [smem:$0x3FAD]  }
0x2d: {  	s3 =	simm.s32 $0x108;
	s8 =	sld [smem:$0x3FAE]  }
0x2e: {  	s3 =	simm.s32 @!p0 $0x1082;
	s9 =	sld [smem:$0x3FAF]  }
0x2f: {  	lr =	sadd.s32 s0, s3;
	s0 =	sld [smem:$0x3FA6]  }
0x30: {  	s3 =	sld [smem:$0x3FA9]  }
0x31: {  	[smem:$0x3FB2] =	sst s10  }
0x32: {  	s10 =	sld [smem:$0x3FB0];
	_ =	sdelay $0x3  }
0x33: {  	p0 =	seq.s32 s10, $0x1;
	s10 =	sld [smem:$0x3FB2];
	_ =	sdelay $0x3  }
0x34: {  	[smem:$0x3FB2] =	sst s10  }
0x35: {  	s10 =	sld [smem:$0x3FB1];
	_ =	sdelay $0x3  }
0x36: {  	p1 =	seq.s32 s10, $0x1;
	s10 =	sld [smem:$0x3FB2];
	_ =	sdelay $0x3  }
0x37: {  	[smem:$0x3FB2] =	sst s10  }
0x38: {  	s10 =	sld [smem:$0x3FB3]  }
0x39: {  	_ = 	snop;
	(pc) =	sbr.ind lr, $3  }
0x3a: {  	_ = 	snop  }
0x3b: {  	_ = 	snop  }
0x3c: {  	p2 =	seq.s32 s10, $0x1;
	s10 =	sld [smem:$0x3FB2]  }
0x3d: {  	_ =	shalt  }
0x3e: {  	_ =	shalt  }
0x3f: {  	_ =	shalt  }
0x40: {  	_ =	shalt  }
0x41: {  	_ =	shalt  }
0x42: {  	_ =	shalt  }
0x43: {  	_ =	shalt  }
0x44: {  	_ =	shalt  }
0x45: {  	_ =	shalt  }
0x46: {  	_ =	shalt  }
0x47: {  	_ =	shalt  }
0x48: {  	_ =	shalt  }
0x49: {  	_ =	shalt  }
0x4a: {  	_ =	shalt  }
0x4b: {  	_ =	shalt  }
0x4c: {  	_ =	shalt  }
0x4d: {  	_ =	shalt  }
0x4e: {  	_ =	shalt  }
0x4f: {  	_ =	shalt  }
0x50: {  	_ =	shalt  }
0x51: {  	_ =	shalt  }
0x52: {  	_ =	shalt  }
0x53: {  	_ =	shalt  }
0x54: {  	_ =	shalt  }
0x55: {  	_ =	shalt  }
0x56: {  	_ =	shalt  }
0x57: {  	_ =	shalt  }
0x58: {  	_ =	shalt  }
0x59: {  	_ =	shalt  }
0x5a: {  	_ =	shalt  }
0x5b: {  	_ =	shalt  }
0x5c: {  	_ =	shalt  }
0x5d: {  	_ =	shalt  }
0x5e: {  	_ =	shalt  }
0x5f: {  	_ =	shalt  }
0x60: {  	_ =	shalt  }
0x61: {  	_ =	shalt  }
0x62: {  	_ =	shalt  }
0x63: {  	_ =	shalt  }
0x64: {  	_ =	shalt  }
0x65: {  	_ =	shalt  }
0x66: {  	_ =	shalt  }
0x67: {  	_ =	shalt  }
0x68: {  	_ =	shalt  }
0x69: {  	_ =	shalt  }
0x6a: {  	_ =	shalt  }
0x6b: {  	_ =	shalt  }
0x6c: {  	_ =	shalt  }
0x6d: {  	_ =	shalt  }
0x6e: {  	_ =	shalt  }
0x6f: {  	_ =	shalt  }
0x70: {  	_ =	shalt  }
0x71: {  	_ =	shalt  }
0x72: {  	_ =	shalt  }
0x73: {  	_ =	shalt  }
0x74: {  	_ =	shalt  }
0x75: {  	_ =	shalt  }
0x76: {  	_ =	shalt  }
0x77: {  	_ =	shalt  }
0x78: {  	_ =	shalt  }
0x79: {  	_ =	shalt  }
0x7a: {  	_ =	shalt  }
0x7b: {  	_ =	shalt  }
0x7c: {  	_ =	shalt  }
0x7d: {  	_ =	shalt  }
0x7e: {  	_ =	shalt  }
0x7f: {  	_ =	shalt  }
0x80: {  	_ =	shalt  }
0x81: {  	_ =	shalt  }
0x82: {  	_ =	shalt  }
0x83: {  	_ =	shalt  }
0x84: {  	_ =	shalt  }
0x85: {  	_ =	shalt  }
0x86: {  	_ =	shalt  }
0x87: {  	_ =	shalt  }
.Lfunc_end0:
.L_simem_size_0:
called_computation.1_lowered:
.L_overlay_start_0:
0x88: {  	s2 =	sld [smem:$0x3FD9]  }
0x89: {  	s3 =	sld [smem:$0x3FFE];
	_ =	sdelay $0x1  }
0x8a: {  	s1 =	srdreg.scid  }
0x8b: {  	s0 =	sand.u32 $0x1, s1  }
0x8c: {  	s14 =	sshll.u32 s0, $0xA;
	s2 =	sadd.s32 s3, s2  }
0x8d: {  	s2 =	sadd.s32 s2, s14  }
0x8e: {  	[smem:$0x3FBE] =	sst s2  }
0x8f: {  	_ = 	snop  }
0x90: {  	s2 =	sld [smem:$0x3FD0];
	_ =	sdelay $0x2  }
0x91: {  	s15 =	simm.s32 $0xA;
	s4 =	simm.s32 $0x10  }
0x92: {  	[smem:s4], [sflag:s15] =	dma.local [hbm:s2], $0x1  }
0x93: {  	_ =	swait.eq [sflag:s15], $0x1  }
0x94: {  	[sflag:s15] =	ssyncset.done $0x0  }
0x95: {  	s16 =	sld [smem:$0x10];
	[sflag:s15] =	ssyncadd.s32 $0xFFFFFFFF  }
0x96: {  	s17 =	sld [smem:$0x11];
	(tm) =	ssettm $0x1  }
0x97: {  	s18 =	sld [smem:$0x3FFB];
	_ =	sdelay $0x3  }
0x98: {  	_ =	strace s18  }
0x99: {  	s4 =	sld [smem:$0x3FFC];
	_ =	sdelay $0x3  }
0x9a: {  	_ =	strace s4  }
0x9b: {  	s4 =	sld [smem:$0x3FFD];
	_ =	sdelay $0x3  }
0x9c: {  	_ =	strace s4  }
0x9d: {  	_ =	strace $0x8FFFFFFF  }
0x9e: {  	s19 =	sld [smem:$0x3FDB];
	_ =	sdelay $0x1  }
0x9f: {  	s5 =	simm.s32 $_scs_section_size  }
0xa0: {  	s6 =	simm.s32 $_size__tile_overlayer_lowered;
	s7 =	simm.s32 $_tile_overlayer_lowered  }
0xa1: {  	s22 =	simm.s32 $0x1BFF;
	s21 =	sshll.u32 s7, $0x1;
	s4 =	sadd.s32 s5, s19  }
0xa2: {  	s8 =	simm.s32 $0x0;
	s20 =	sshll.u32 s6, $0x1;
	s6 =	sadd.s32 s21, s4  }
0xa3: {  	[timem:s8], [sflag:s22] =	dma.local [hbm:s6], s20  }
0xa4: {  	_ =	swait.ge [sflag:s22], s20  }
0xa5: {  	s5 =	ssub.s32 $0x0, s20;
	[sflag:s22] =	ssyncset.done $0x0  }
0xa6: {  	[sflag:s22] =	ssyncadd.s32 s5;
	_ =	sdelay $0x1  }
0xa7: {  	s23 =	simm.s32 $0x1B8B  }
0xa8: {  	_ =	swait.ge [sflag:s23], $0x1  }
0xa9: {  	[sflag:s23] =	ssyncset.done $0x0  }
0xaa: {  	s25 =	simm.s32 $0x1B8E;
	s24 =	sld [smem:$0x3FFE];
	[sflag:s23] =	ssyncadd.s32 $0xFFFFFFFF  }
0xab: {  	s26 =	simm.s32 $execute0_lowered;
	[smem:$0x3FD2] =	sst s25  }
0xac: {  	s6 =	sshll.u32 s26, $0x1;
	_ =	strace $0x80000046;
	[dreg:$0x1] =	wrdreg $0xFFFFFFFF  }
0xad: {  	s28 =	simm.s32 $_size_execute0_lowered;
	s4 =	sadd.s32 s4, s6;
	[dreg:$0x0] =	wrdreg $0x0  }
0xae: {  	s6 =	sshll.u32 s28, $0x1;
	[dreg:$0x2] =	wrdreg s4  }
0xaf: {  	[dreg:$0x3] =	wrdreg s6  }
0xb0: {  	[dreg:$0x4] =	wrdreg $0xC0  }
0xb1: {  	_ =	task [dreg:s8], $0x5FFFF  }
0xb2: {  	[dreg:$0x1] =	wrdreg $0xFFFFFFFF  }
0xb3: {  	[dreg:$0x0] =	wrdreg $0x60  }
0xb4: {  	[dreg:$0x2] =	wrdreg s24  }
0xb5: {  	[dreg:$0x3] =	wrdreg s17  }
0xb6: {  	[dreg:$0x4] =	wrdreg s16  }
0xb7: {  	[dreg:$0x5] =	wrdreg $0x0  }
0xb8: {  	[dreg:$0x6] =	wrdreg $0x9  }
0xb9: {  	_ =	task.clear_ibuf [dreg:s8], $0x7FFFF;
	_ =	strace $0x90000046  }
0xba: {  	s29 =	simm.s32 $0x9;
	_ =	strace $0x80000048  }
0xbb: {  	_ =	swait.ge [sflag:s29], $0x1  }
0xbc: {  	[sflag:s29] =	ssyncadd.s32 $0xFFFFFFFF  }
0xbd: {  	_ =	strace $0x90000048  }
0xbe: {  	_ =	sfence  }
0xbf: {  	s30 =	sld [smem:$0x0];
	_ =	sdelay $0x2  }
0xc0: {  	s31 =	sshll.u32 s1, $0xD;
	s1 =	sshrl.u32 s1, $0x2  }
0xc1: {  	s3 =	sand.u32 $0x4000, s31;
	s1 =	sadd.s32 s1, s30  }
0xc2: {  	s0 =	sor.u32 s3, s0;
	s1 =	sshll.u32 s1, $0x11  }
0xc3: {  	s0 =	sor.u32 s1, s0  }
0xc4: {  	s0 =	sadd.s32 $0x8F2B, s0  }
0xc5: {  	[sflag:s0] =	ssyncadd.remote.s32 $0x1  }
0xc6: {  	_ =	sfence.sel $0xFFFF  }
0xc7: {  	[dreg:$0x0] =	wrdreg $0xFFFFFFFF;
	(pc) =	sbr.abs _section_cstart, $3  }
0xc8: {  	[dreg:$0x1] =	wrdreg $0xFFFFFFFF  }
0xc9: {  	_ =	task.clear_ibuf [dreg:s8], $0x2FFFF;
	_ =	strace $0x9FFFFFFF  }
0xca: {  	(tm) =	ssettm $0x7FFFFFFF  }
0xcb: {  	_ =	shalt  }
tec
execute0_lowered:
.L_overlay_start_1:
0x0: {  	(tag) =	ssettag $0x1  }
0x1: {  	s3 =	rddreg [dreg:$0x0]  }
0x2: {  	s28 =	rddreg [dreg:$0x1]  }
0x3: {  	s31 =	rddreg [dreg:$0x2]  }
0x4: {  	s1 =	rddreg [dreg:$0x3]  }
0x5: {  	s2 =	simm.s32 $0x0;
	s25 =	srdreg.scid;
	s4 =	stileid.u32  }
0x6: {  	[smem:$0x7FF] =	sst s2;
	s3 =	sadd.s32 $0x1A00, s3;
	s0 =	sand.u32 $0x1, s25  }
0x7: {  	p0 =	sne.s32 s4, $0x0;
	_ =	strace $0x80000047;
	[dreg:$0x5] =	wrdreg s3  }
0x8: {  	s7 =	sshll.u32 s4, $0xC;
	[dreg:$0x6] =	wrdreg s0;
	s3 =	simm.s32 @!p0 $0x3  }
0x9: {  	s4 =	sshrl.u32 @!p0 s1, $0x3;
	s5 =	simm.s32 @!p0 $0x1C03;
	s6 =	rddreg [dreg:$0x5]  }
0xa: {  	[spmem:s4], [sflag:s5] =	dma.local @!p0 [hbm:s6], $0x1800  }
0xb: {  	s8 =	sshll.u32 s0, $0xB;
	_ =	swait.ge @!p0 [sflag:s3], $0x1800  }
0xc: {  	s29 =	sor.u32 s8, s7;
	[sflag:s3] =	ssyncset.done @!p0 $0x0  }
0xd: {  	s8 =	simm.s32 $0xC00;
	s26 =	sshrl.u32 s29, $0x3;
	[sflag:s3] =	ssyncadd.s32 @!p0 $0xFFFFE800  }
0xe: {  	s7 =	simm.s32 $0x3;
	s6 =	sadd.s32 s28, s26;
	[bflag:$0x0] =	sbarrier.arrive $0xFFFF  }
0xf: {  	[tilespmem:s8], [sflag:$0x3] =	stream.linear.gather [hbm4b:s6+s2], $0x100, $0x38;
	[tilespmem:$0x18E00] =	vst v63  }
0x10: {  	_ =	swait.ge [sflag:s7], $0x100  }
0x11: {  	s9 =	simm.s32 $0x100;
	s18 =	sor.u32 $0x100, s29;
	[sflag:s7] =	ssyncset.done $0x0  }
0x12: {  	s10 =	simm.s32 $0xE00;
	s11 =	sshrl.u32 s18, $0x3;
	[sflag:s7] =	ssyncadd.s32 $0xFFFFFF00  }
0x13: {  	[tilespmem:s10], [sflag:$0x1] =	stream.indirect.gather [spmem:s1], $0xC0, s8, s9, $0xb8;
	[tilespmem:$0x18E00] =	vst v63  }
0x14: {  	s12 =	simm.s32 $0xD00;
	s11 =	sadd.s32 s28, s11  }
0x15: {  	[tilespmem:s12], [sflag:$0x3] =	stream.linear.gather [hbm4b:s11+s2], $0x100, $0x38;
	[tilespmem:$0x18E00] =	vst v63  }
0x16: {  	_ =	swait.ge [sflag:s7], $0x100  }
0x17: {  	[sflag:s7] =	ssyncset.done $0x0  }
0x18: {  	s13 =	simm.s32 $0xCE00;
	s14 =	simm.s32 $0x1;
	[sflag:s7] =	ssyncadd.s32 $0xFFFFFF00  }
0x19: {  	[tilespmem:s13], [sflag:$0x2] =	stream.indirect.gather [spmem:s1], $0xC0, s12, s9, $0xb8;
	[tilespmem:$0x18E00] =	vst v63  }
0x1a: {  	s15 =	smul.u32 $0x18, s29;
	_ =	swait.ge [sflag:s14], $0xC000  }
0x1b: {  	[sflag:s14] =	ssyncset.done $0x0  }
0x1c: {  	s15 =	sadd.s32 s31, s15;
	[sflag:s14] =	ssyncadd.s32 $0xFFFF4000  }
0x1d: {  	[hbm4b:s15+s2] =	stream.linear.scatter [tilespmem:s10], [sflag:$0x3], $0xC000, $0x38;
	[tilespmem:$0x18E00] =	vst v63  }
0x1e: {  	s20 =	sor.u32 $0x200, s29;
	_ =	swait.ge [sflag:s7], $0xC000  }
0x1f: {  	s16 =	sshrl.u32 s20, $0x3;
	[sflag:s7] =	ssyncset.done $0x0  }
0x20: {  	s16 =	sadd.s32 s28, s16;
	[sflag:s7] =	ssyncadd.s32 $0xFFFF4000  }
0x21: {  	[tilespmem:s8], [sflag:$0x3] =	stream.linear.gather [hbm4b:s16+s2], $0x100, $0x38;
	[tilespmem:$0x18E00] =	vst v63  }
0x22: {  	_ =	swait.ge [sflag:s7], $0x100  }
0x23: {  	[sflag:s7] =	ssyncset.done $0x0  }
0x24: {  	s17 =	simm.s32 $0x2;
	[sflag:s7] =	ssyncadd.s32 $0xFFFFFF00  }
0x25: {  	[tilespmem:s10], [sflag:$0x1] =	stream.indirect.gather [spmem:s1], $0xC0, s8, s9, $0xb8;
	[tilespmem:$0x18E00] =	vst v63  }
0x26: {  	s18 =	smul.u32 $0x18, s18;
	_ =	swait.ge [sflag:s17], $0xC000  }
0x27: {  	[sflag:s17] =	ssyncset.done $0x0  }
0x28: {  	s18 =	sadd.s32 s31, s18;
	[sflag:s17] =	ssyncadd.s32 $0xFFFF4000  }
0x29: {  	[hbm4b:s18+s2] =	stream.linear.scatter [tilespmem:s13], [sflag:$0x3], $0xC000, $0x38;
	[tilespmem:$0x18E00] =	vst v63  }
0x2a: {  	s22 =	sor.u32 $0x300, s29;
	_ =	swait.ge [sflag:s7], $0xC000  }
0x2b: {  	s19 =	sshrl.u32 s22, $0x3;
	[sflag:s7] =	ssyncset.done $0x0  }
0x2c: {  	s19 =	sadd.s32 s28, s19;
	[sflag:s7] =	ssyncadd.s32 $0xFFFF4000  }
0x2d: {  	[tilespmem:s12], [sflag:$0x3] =	stream.linear.gather [hbm4b:s19+s2], $0x100, $0x38;
	[tilespmem:$0x18E00] =	vst v63  }
0x2e: {  	_ =	swait.ge [sflag:s7], $0x100  }
0x2f: {  	[sflag:s7] =	ssyncset.done $0x0  }
0x30: {  	[sflag:s7] =	ssyncadd.s32 $0xFFFFFF00  }
0x31: {  	[tilespmem:s13], [sflag:$0x2] =	stream.indirect.gather [spmem:s1], $0xC0, s12, s9, $0xb8;
	[tilespmem:$0x18E00] =	vst v63  }
0x32: {  	s20 =	smul.u32 $0x18, s20;
	_ =	swait.ge [sflag:s14], $0xC000  }
0x33: {  	[sflag:s14] =	ssyncset.done $0x0  }
0x34: {  	s20 =	sadd.s32 s31, s20;
	[sflag:s14] =	ssyncadd.s32 $0xFFFF4000  }
0x35: {  	[hbm4b:s20+s2] =	stream.linear.scatter [tilespmem:s10], [sflag:$0x3], $0xC000, $0x38;
	[tilespmem:$0x18E00] =	vst v63  }
0x36: {  	s24 =	sor.u32 $0x400, s29;
	_ =	swait.ge [sflag:s7], $0xC000  }
0x37: {  	s21 =	sshrl.u32 s24, $0x3;
	[sflag:s7] =	ssyncset.done $0x0  }
0x38: {  	s21 =	sadd.s32 s28, s21;
	[sflag:s7] =	ssyncadd.s32 $0xFFFF4000  }
0x39: {  	[tilespmem:s8], [sflag:$0x3] =	stream.linear.gather [hbm4b:s21+s2], $0x100, $0x38;
	[tilespmem:$0x18E00] =	vst v63  }
0x3a: {  	_ =	swait.ge [sflag:s7], $0x100  }
0x3b: {  	[sflag:s7] =	ssyncset.done $0x0  }
0x3c: {  	[sflag:s7] =	ssyncadd.s32 $0xFFFFFF00  }
0x3d: {  	[tilespmem:s10], [sflag:$0x1] =	stream.indirect.gather [spmem:s1], $0xC0, s8, s9, $0xb8;
	[tilespmem:$0x18E00] =	vst v63  }
0x3e: {  	s22 =	smul.u32 $0x18, s22;
	_ =	swait.ge [sflag:s17], $0xC000  }
0x3f: {  	[sflag:s17] =	ssyncset.done $0x0  }
0x40: {  	s22 =	sadd.s32 s31, s22;
	[sflag:s17] =	ssyncadd.s32 $0xFFFF4000  }
0x41: {  	[hbm4b:s22+s2] =	stream.linear.scatter [tilespmem:s13], [sflag:$0x3], $0xC000, $0x38;
	[tilespmem:$0x18E00] =	vst v63  }
0x42: {  	s26 =	sor.u32 $0x500, s29;
	_ =	swait.ge [sflag:s7], $0xC000  }
0x43: {  	s23 =	sshrl.u32 s26, $0x3;
	[sflag:s7] =	ssyncset.done $0x0  }
0x44: {  	s23 =	sadd.s32 s28, s23;
	[sflag:s7] =	ssyncadd.s32 $0xFFFF4000  }
0x45: {  	[tilespmem:s12], [sflag:$0x3] =	stream.linear.gather [hbm4b:s23+s2], $0x100, $0x38;
	[tilespmem:$0x18E00] =	vst v63  }
0x46: {  	_ =	swait.ge [sflag:s7], $0x100  }
0x47: {  	[sflag:s7] =	ssyncset.done $0x0  }
0x48: {  	[sflag:s7] =	ssyncadd.s32 $0xFFFFFF00  }
0x49: {  	[tilespmem:s13], [sflag:$0x2] =	stream.indirect.gather [spmem:s1], $0xC0, s12, s9, $0xb8;
	[tilespmem:$0x18E00] =	vst v63  }
0x4a: {  	s24 =	smul.u32 $0x18, s24;
	_ =	swait.ge [sflag:s14], $0xC000  }
0x4b: {  	[sflag:s14] =	ssyncset.done $0x0  }
0x4c: {  	s24 =	sadd.s32 s31, s24;
	[sflag:s14] =	ssyncadd.s32 $0xFFFF4000  }
0x4d: {  	[hbm4b:s24+s2] =	stream.linear.scatter [tilespmem:s10], [sflag:$0x3], $0xC000, $0x38;
	[tilespmem:$0x18E00] =	vst v63  }
0x4e: {  	s30 =	sor.u32 $0x600, s29;
	_ =	swait.ge [sflag:s7], $0xC000  }
0x4f: {  	s25 =	sshrl.u32 s30, $0x3;
	[sflag:s7] =	ssyncset.done $0x0  }
0x50: {  	s25 =	sadd.s32 s28, s25;
	[sflag:s7] =	ssyncadd.s32 $0xFFFF4000  }
0x51: {  	[tilespmem:s8], [sflag:$0x3] =	stream.linear.gather [hbm4b:s25+s2], $0x100, $0x38;
	[tilespmem:$0x18E00] =	vst v63  }
0x52: {  	_ =	swait.ge [sflag:s7], $0x100  }
0x53: {  	[sflag:s7] =	ssyncset.done $0x0  }
0x54: {  	[sflag:s7] =	ssyncadd.s32 $0xFFFFFF00  }
0x55: {  	[tilespmem:s10], [sflag:$0x1] =	stream.indirect.gather [spmem:s1], $0xC0, s8, s9, $0xb8;
	[tilespmem:$0x18E00] =	vst v63  }
0x56: {  	s26 =	smul.u32 $0x18, s26;
	_ =	swait.ge [sflag:s17], $0xC000  }
0x57: {  	[sflag:s17] =	ssyncset.done $0x0  }
0x58: {  	s26 =	sadd.s32 s31, s26;
	[sflag:s17] =	ssyncadd.s32 $0xFFFF4000  }
0x59: {  	[hbm4b:s26+s2] =	stream.linear.scatter [tilespmem:s13], [sflag:$0x3], $0xC000, $0x38;
	[tilespmem:$0x18E00] =	vst v63  }
0x5a: {  	s0 =	sor.u32 $0x700, s29;
	_ =	swait.ge [sflag:s7], $0xC000  }
0x5b: {  	s29 =	sshrl.u32 s0, $0x3;
	[sflag:s7] =	ssyncset.done $0x0  }
0x5c: {  	s28 =	sadd.s32 s28, s29;
	[sflag:s7] =	ssyncadd.s32 $0xFFFF4000  }
0x5d: {  	[tilespmem:s12], [sflag:$0x3] =	stream.linear.gather [hbm4b:s28+s2], $0x100, $0x38;
	[tilespmem:$0x18E00] =	vst v63  }
0x5e: {  	_ =	swait.ge [sflag:s7], $0x100  }
0x5f: {  	[sflag:s7] =	ssyncset.done $0x0  }
0x60: {  	[sflag:s7] =	ssyncadd.s32 $0xFFFFFF00  }
0x61: {  	[tilespmem:s13], [sflag:$0x2] =	stream.indirect.gather [spmem:s1], $0xC0, s12, s9, $0xb8;
	[tilespmem:$0x18E00] =	vst v63  }
0x62: {  	s29 =	smul.u32 $0x18, s30;
	_ =	swait.ge [sflag:s14], $0xC000  }
0x63: {  	[sflag:s14] =	ssyncset.done $0x0  }
0x64: {  	s29 =	sadd.s32 s31, s29;
	[sflag:s14] =	ssyncadd.s32 $0xFFFF4000  }
0x65: {  	[hbm4b:s29+s2] =	stream.linear.scatter [tilespmem:s10], [sflag:$0x3], $0xC000, $0x38;
	[tilespmem:$0x18E00] =	vst v63  }
0x66: {  	_ =	swait.ge [sflag:s7], $0xC000  }
0x67: {  	s30 =	rddreg [dreg:$0x6]  }
0x68: {  	s30 =	ssub.s32 $0x2, s30  }
0x69: {  	s31 =	sshrl.u32 s30, $0x1  }
0x6a: {  	s30 =	ssub.s32 s30, s31  }
0x6b: {  	[sflag:s7] =	ssyncset.done $0x0;
	s31 =	smax.u32 s30, $0x1  }
0x6c: {  	[sflag:s7] =	ssyncadd.s32 $0xFFFF4000;
	s31 =	sadd.s32 $0xFFFFFFFF, s31  }
0x6d: {  	s0 =	smul.u32 $0x18, s0;
	_ =	swait.ge [sflag:s17], $0xC000;
	p1 =	sne.s32 s31, $0x0  }
.Ltmp0:
0x6e: {  	[sflag:s17] =	ssyncset.done $0x0;
	(pc) =	sbr.rel @!p1 .LBB2_2-.Ltmp0, $4  }
0x6f: {  	s30 =	rddreg [dreg:$0x2]  }
0x70: {  	[sflag:s17] =	ssyncadd.s32 $0xFFFF4000;
	s30 =	sadd.s32 s30, s0  }
0x71: {  	[hbm4b:s30+s2] =	stream.linear.scatter [tilespmem:s13], [sflag:$0x3], $0xC000, $0x38;
	[tilespmem:$0x18E00] =	vst v63  }
0x72: {  	_ =	swait.ge [sflag:s7], $0xC000  }
.LBB2_1:
0x73: {  	[sflag:s7] =	ssyncset.done $0x0  }
0x74: {  	s0 =	rddreg [dreg:$0x5];
	[sflag:s7] =	ssyncadd.s32 $0xFFFF4000  }
0x75: {  	[spmem:s4], [sflag:s5] =	dma.local @!p0 [hbm:s0], $0x1800  }
0x76: {  	_ =	swait.ge @!p0 [sflag:s3], $0x1800  }
0x77: {  	[sflag:s3] =	ssyncset.done @!p0 $0x0  }
0x78: {  	[sflag:s3] =	ssyncadd.s32 @!p0 $0xFFFFE800  }
0x79: {  	[bflag:$0x0] =	sbarrier.arrive $0xFFFF  }
0x7a: {  	[tilespmem:s8], [sflag:$0x3] =	stream.linear.gather [hbm4b:s6+s2], $0x100, $0x38;
	[tilespmem:$0x18E00] =	vst v63  }
0x7b: {  	_ =	swait.ge [sflag:s7], $0x100  }
0x7c: {  	[sflag:s7] =	ssyncset.done $0x0  }
0x7d: {  	[sflag:s7] =	ssyncadd.s32 $0xFFFFFF00  }
0x7e: {  	[tilespmem:s10], [sflag:$0x1] =	stream.indirect.gather [spmem:s1], $0xC0, s8, s9, $0xb8;
	[tilespmem:$0x18E00] =	vst v63  }
0x7f: {  	_ = 	snop  }
0x80: {  	[tilespmem:s12], [sflag:$0x3] =	stream.linear.gather [hbm4b:s11+s2], $0x100, $0x38;
	[tilespmem:$0x18E00] =	vst v63  }
0x81: {  	_ =	swait.ge [sflag:s7], $0x100  }
0x82: {  	[sflag:s7] =	ssyncset.done $0x0  }
0x83: {  	[sflag:s7] =	ssyncadd.s32 $0xFFFFFF00  }
0x84: {  	[tilespmem:s13], [sflag:$0x2] =	stream.indirect.gather [spmem:s1], $0xC0, s12, s9, $0xb8;
	[tilespmem:$0x18E00] =	vst v63  }
0x85: {  	_ =	swait.ge [sflag:s14], $0xC000  }
0x86: {  	[sflag:s14] =	ssyncset.done $0x0  }
0x87: {  	[sflag:s14] =	ssyncadd.s32 $0xFFFF4000  }
0x88: {  	[hbm4b:s15+s2] =	stream.linear.scatter [tilespmem:s10], [sflag:$0x3], $0xC000, $0x38;
	[tilespmem:$0x18E00] =	vst v63  }
0x89: {  	_ =	swait.ge [sflag:s7], $0xC000  }
0x8a: {  	[sflag:s7] =	ssyncset.done $0x0  }
0x8b: {  	[sflag:s7] =	ssyncadd.s32 $0xFFFF4000  }
0x8c: {  	[tilespmem:s8], [sflag:$0x3] =	stream.linear.gather [hbm4b:s16+s2], $0x100, $0x38;
	[tilespmem:$0x18E00] =	vst v63  }
0x8d: {  	_ =	swait.ge [sflag:s7], $0x100  }
0x8e: {  	[sflag:s7] =	ssyncset.done $0x0  }
0x8f: {  	[sflag:s7] =	ssyncadd.s32 $0xFFFFFF00  }
0x90: {  	[tilespmem:s10], [sflag:$0x1] =	stream.indirect.gather [spmem:s1], $0xC0, s8, s9, $0xb8;
	[tilespmem:$0x18E00] =	vst v63  }
0x91: {  	_ =	swait.ge [sflag:s17], $0xC000  }
0x92: {  	[sflag:s17] =	ssyncset.done $0x0  }
0x93: {  	[sflag:s17] =	ssyncadd.s32 $0xFFFF4000  }
0x94: {  	[hbm4b:s18+s2] =	stream.linear.scatter [tilespmem:s13], [sflag:$0x3], $0xC000, $0x38;
	[tilespmem:$0x18E00] =	vst v63  }
0x95: {  	_ =	swait.ge [sflag:s7], $0xC000  }
0x96: {  	[sflag:s7] =	ssyncset.done $0x0  }
0x97: {  	[sflag:s7] =	ssyncadd.s32 $0xFFFF4000  }
0x98: {  	[tilespmem:s12], [sflag:$0x3] =	stream.linear.gather [hbm4b:s19+s2], $0x100, $0x38;
	[tilespmem:$0x18E00] =	vst v63  }
0x99: {  	_ =	swait.ge [sflag:s7], $0x100  }
0x9a: {  	[sflag:s7] =	ssyncset.done $0x0  }
0x9b: {  	[sflag:s7] =	ssyncadd.s32 $0xFFFFFF00  }
0x9c: {  	[tilespmem:s13], [sflag:$0x2] =	stream.indirect.gather [spmem:s1], $0xC0, s12, s9, $0xb8;
	[tilespmem:$0x18E00] =	vst v63  }
0x9d: {  	_ =	swait.ge [sflag:s14], $0xC000  }
0x9e: {  	[sflag:s14] =	ssyncset.done $0x0  }
0x9f: {  	[sflag:s14] =	ssyncadd.s32 $0xFFFF4000  }
0xa0: {  	[hbm4b:s20+s2] =	stream.linear.scatter [tilespmem:s10], [sflag:$0x3], $0xC000, $0x38;
	[tilespmem:$0x18E00] =	vst v63  }
0xa1: {  	_ =	swait.ge [sflag:s7], $0xC000  }
0xa2: {  	[sflag:s7] =	ssyncset.done $0x0  }
0xa3: {  	[sflag:s7] =	ssyncadd.s32 $0xFFFF4000  }
0xa4: {  	[tilespmem:s8], [sflag:$0x3] =	stream.linear.gather [hbm4b:s21+s2], $0x100, $0x38;
	[tilespmem:$0x18E00] =	vst v63  }
0xa5: {  	_ =	swait.ge [sflag:s7], $0x100  }
0xa6: {  	[sflag:s7] =	ssyncset.done $0x0  }
0xa7: {  	[sflag:s7] =	ssyncadd.s32 $0xFFFFFF00  }
0xa8: {  	[tilespmem:s10], [sflag:$0x1] =	stream.indirect.gather [spmem:s1], $0xC0, s8, s9, $0xb8;
	[tilespmem:$0x18E00] =	vst v63  }
0xa9: {  	_ =	swait.ge [sflag:s17], $0xC000  }
0xaa: {  	[sflag:s17] =	ssyncset.done $0x0  }
0xab: {  	[sflag:s17] =	ssyncadd.s32 $0xFFFF4000  }
0xac: {  	[hbm4b:s22+s2] =	stream.linear.scatter [tilespmem:s13], [sflag:$0x3], $0xC000, $0x38;
	[tilespmem:$0x18E00] =	vst v63  }
0xad: {  	_ =	swait.ge [sflag:s7], $0xC000  }
0xae: {  	[sflag:s7] =	ssyncset.done $0x0  }
0xaf: {  	[sflag:s7] =	ssyncadd.s32 $0xFFFF4000  }
0xb0: {  	[tilespmem:s12], [sflag:$0x3] =	stream.linear.gather [hbm4b:s23+s2], $0x100, $0x38;
	[tilespmem:$0x18E00] =	vst v63  }
0xb1: {  	_ =	swait.ge [sflag:s7], $0x100  }
0xb2: {  	[sflag:s7] =	ssyncset.done $0x0  }
0xb3: {  	[sflag:s7] =	ssyncadd.s32 $0xFFFFFF00  }
0xb4: {  	[tilespmem:s13], [sflag:$0x2] =	stream.indirect.gather [spmem:s1], $0xC0, s12, s9, $0xb8;
	[tilespmem:$0x18E00] =	vst v63  }
0xb5: {  	_ =	swait.ge [sflag:s14], $0xC000  }
0xb6: {  	[sflag:s14] =	ssyncset.done $0x0  }
0xb7: {  	[sflag:s14] =	ssyncadd.s32 $0xFFFF4000  }
0xb8: {  	[hbm4b:s24+s2] =	stream.linear.scatter [tilespmem:s10], [sflag:$0x3], $0xC000, $0x38;
	[tilespmem:$0x18E00] =	vst v63  }
0xb9: {  	_ =	swait.ge [sflag:s7], $0xC000  }
0xba: {  	[sflag:s7] =	ssyncset.done $0x0  }
0xbb: {  	[sflag:s7] =	ssyncadd.s32 $0xFFFF4000  }
0xbc: {  	[tilespmem:s8], [sflag:$0x3] =	stream.linear.gather [hbm4b:s25+s2], $0x100, $0x38;
	[tilespmem:$0x18E00] =	vst v63  }
0xbd: {  	_ =	swait.ge [sflag:s7], $0x100  }
0xbe: {  	[sflag:s7] =	ssyncset.done $0x0  }
0xbf: {  	[sflag:s7] =	ssyncadd.s32 $0xFFFFFF00  }
0xc0: {  	[tilespmem:s10], [sflag:$0x1] =	stream.indirect.gather [spmem:s1], $0xC0, s8, s9, $0xb8;
	[tilespmem:$0x18E00] =	vst v63  }
0xc1: {  	_ =	swait.ge [sflag:s17], $0xC000  }
0xc2: {  	[sflag:s17] =	ssyncset.done $0x0  }
0xc3: {  	[sflag:s17] =	ssyncadd.s32 $0xFFFF4000  }
0xc4: {  	[hbm4b:s26+s2] =	stream.linear.scatter [tilespmem:s13], [sflag:$0x3], $0xC000, $0x38;
	[tilespmem:$0x18E00] =	vst v63  }
0xc5: {  	_ =	swait.ge [sflag:s7], $0xC000  }
0xc6: {  	[sflag:s7] =	ssyncset.done $0x0  }
0xc7: {  	[sflag:s7] =	ssyncadd.s32 $0xFFFF4000  }
0xc8: {  	[tilespmem:s12], [sflag:$0x3] =	stream.linear.gather [hbm4b:s28+s2], $0x100, $0x38;
	[tilespmem:$0x18E00] =	vst v63  }
0xc9: {  	_ =	swait.ge [sflag:s7], $0x100  }
0xca: {  	[sflag:s7] =	ssyncset.done $0x0  }
0xcb: {  	[sflag:s7] =	ssyncadd.s32 $0xFFFFFF00  }
0xcc: {  	[tilespmem:s13], [sflag:$0x2] =	stream.indirect.gather [spmem:s1], $0xC0, s12, s9, $0xb8;
	[tilespmem:$0x18E00] =	vst v63  }
0xcd: {  	_ =	swait.ge [sflag:s14], $0xC000  }
0xce: {  	[sflag:s14] =	ssyncset.done $0x0  }
0xcf: {  	[sflag:s14] =	ssyncadd.s32 $0xFFFF4000  }
0xd0: {  	[hbm4b:s29+s2] =	stream.linear.scatter [tilespmem:s10], [sflag:$0x3], $0xC000, $0x38;
	[tilespmem:$0x18E00] =	vst v63  }
0xd1: {  	_ =	swait.ge [sflag:s7], $0xC000  }
0xd2: {  	s31 =	sadd.s32 $0xFFFFFFFF, s31;
	[sflag:s7] =	ssyncset.done $0x0  }
0xd3: {  	p1 =	sne.s32 s31, $0x0;
	[sflag:s7] =	ssyncadd.s32 $0xFFFF4000  }
.Ltmp1:
0xd4: {  	_ =	swait.ge [sflag:s17], $0xC000;
	(pc) =	sbr.rel @p1 .LBB2_1-.Ltmp1, $4  }
0xd5: {  	[sflag:s17] =	ssyncset.done $0x0  }
0xd6: {  	[sflag:s17] =	ssyncadd.s32 $0xFFFF4000  }
0xd7: {  	[hbm4b:s30+s2] =	stream.linear.scatter [tilespmem:s13], [sflag:$0x3], $0xC000, $0x38;
	[tilespmem:$0x18E00] =	vst v63  }
0xd8: {  	_ =	swait.ge [sflag:s7], $0xC000  }
.LBB2_2:
0xd9: {  	[sflag:s7] =	ssyncset.done $0x0  }
0xda: {  	[sflag:s7] =	ssyncadd.s32 $0xFFFF4000  }
0xdb: {  	_ =	sfence.sel $0x180000  }
0xdc: {  	[bflag:$0x0] =	sbarrier.arrive $0xFFFF  }
0xdd: {  	_ =	strace $0x90000047  }
0xde: {  	[bflag:$0x2] =	sbarrier.arrive $0xFFFF  }
0xdf: {  	s0 =	rddreg [dreg:$0x4]  }
0xe0: {  	s0 =	sadd.s32 @!p0 $0x100000, s0  }
0xe1: {  	[sflag:s0] =	ssyncadd.tile.s32 @!p0 $0x1;
	_ =	shalt  }
.Lfunc_end2:
_tile_overlayer_lowered:
.L_overlay_start_2:
0xe2: {  	(tag) =	ssettag $0x2  }
0xe3: {  	s0 =	rddreg [dreg:$0x0];
	s2 =	stileid.u32  }
0xe4: {  	s1 =	rddreg [dreg:$0x1];
	p0 =	sne.s32 s2, $0x0  }
0xe5: {  	s3 =	rddreg [dreg:$0x2];
	[bflag:$0x3] =	sbarrier.arrive $0xFFFF;
	s2 =	simm.s32 @!p0 $0x1C03  }
0xe6: {  	[timem:s3], [sflag:s2] =	dma.local @!p0 [hbm:s0], s1  }
0xe7: {  	s0 =	simm.s32 @!p0 $0x3  }
0xe8: {  	_ =	swait.ge @!p0 [sflag:s0], s1  }
0xe9: {  	s1 =	ssub.s32 @!p0 $0x0, s1;
	[sflag:s0] =	ssyncset.done @!p0 $0x0  }
0xea: {  	[sflag:s0] =	ssyncadd.s32 @!p0 s1  }
0xeb: {  	[bflag:$0x3] =	sbarrier.arrive $0xFFFF  }
0xec: {  	_ =	shalt  }

// kernel: sparse-core-data-format-call.cloned.1.call-start
scs
called_computation_lowered:
.L_overlay_start_0:
0x0: {  	s2 =	sld [smem:$0x3FD9]  }
0x1: {  	s3 =	sld [smem:$0x3FFE];
	_ =	sdelay $0x1  }
0x2: {  	s1 =	srdreg.scid  }
0x3: {  	s0 =	sand.u32 $0x1, s1  }
0x4: {  	s15 =	sshll.u32 s0, $0xA;
	s2 =	sadd.s32 s3, s2  }
0x5: {  	s2 =	sadd.s32 s2, s15  }
0x6: {  	[smem:$0x3FBE] =	sst s2  }
0x7: {  	_ = 	snop  }
0x8: {  	s2 =	sld [smem:$0x3FD0];
	_ =	sdelay $0x2  }
0x9: {  	s16 =	simm.s32 $0xA;
	s4 =	simm.s32 $0x10  }
0xa: {  	[smem:s4], [sflag:s16] =	dma.local [hbm:s2], $0x1  }
0xb: {  	_ =	swait.eq [sflag:s16], $0x1  }
0xc: {  	[sflag:s16] =	ssyncset.done $0x0  }
0xd: {  	[sflag:s16] =	ssyncadd.s32 $0xFFFFFFFF  }
0xe: {  	s17 =	sld [smem:$0x10];
	(tm) =	ssettm $0x1  }
0xf: {  	s18 =	sld [smem:$0x3FFB];
	_ =	sdelay $0x3  }
0x10: {  	_ =	strace s18  }
0x11: {  	s3 =	sld [smem:$0x3FFC];
	_ =	sdelay $0x3  }
0x12: {  	_ =	strace s3  }
0x13: {  	s3 =	sld [smem:$0x3FFD];
	_ =	sdelay $0x3  }
0x14: {  	_ =	strace s3  }
0x15: {  	_ =	strace $0x8FFFFFFF  }
0x16: {  	s19 =	sld [smem:$0x3FDB];
	_ =	sdelay $0x1  }
0x17: {  	s20 =	simm.s32 $_scs_section_size  }
0x18: {  	s5 =	simm.s32 $_size__tile_overlayer_lowered;
	s6 =	simm.s32 $_tile_overlayer_lowered  }
0x19: {  	s23 =	simm.s32 $0x1BFF;
	s22 =	sshll.u32 s6, $0x1;
	s3 =	sadd.s32 s20, s19  }
0x1a: {  	s7 =	simm.s32 $0x0;
	s21 =	sshll.u32 s5, $0x1;
	s5 =	sadd.s32 s22, s3  }
0x1b: {  	[timem:s7], [sflag:s23] =	dma.local [hbm:s5], s21  }
0x1c: {  	_ =	swait.ge [sflag:s23], s21  }
0x1d: {  	s4 =	ssub.s32 $0x0, s21;
	[sflag:s23] =	ssyncset.done $0x0  }
0x1e: {  	[sflag:s23] =	ssyncadd.s32 s4;
	_ =	sdelay $0x1  }
0x1f: {  	s24 =	simm.s32 $0x1B8B  }
0x20: {  	_ =	swait.ge [sflag:s24], $0x1  }
0x21: {  	[sflag:s24] =	ssyncset.done $0x0  }
0x22: {  	s26 =	simm.s32 $0x1B8E;
	s25 =	sld [smem:$0x3FFE];
	[sflag:s24] =	ssyncadd.s32 $0xFFFFFFFF  }
0x23: {  	s27 =	simm.s32 $execute0_lowered;
	[smem:$0x3FD2] =	sst s26  }
0x24: {  	s5 =	sshll.u32 s27, $0x1;
	_ =	strace $0x80000049;
	[dreg:$0x1] =	wrdreg $0xFFFFFFFF  }
0x25: {  	s28 =	simm.s32 $_size_execute0_lowered;
	s3 =	sadd.s32 s3, s5;
	[dreg:$0x0] =	wrdreg $0x0  }
0x26: {  	s5 =	sshll.u32 s28, $0x1;
	[dreg:$0x2] =	wrdreg s3  }
0x27: {  	[dreg:$0x3] =	wrdreg s5  }
0x28: {  	[dreg:$0x4] =	wrdreg $0xC0  }
0x29: {  	_ =	task [dreg:s7], $0x5FFFF  }
0x2a: {  	[dreg:$0x1] =	wrdreg $0xFFFFFFFF  }
0x2b: {  	[dreg:$0x0] =	wrdreg $0x60  }
0x2c: {  	[dreg:$0x2] =	wrdreg s25  }
0x2d: {  	[dreg:$0x3] =	wrdreg s17  }
0x2e: {  	[dreg:$0x4] =	wrdreg $0x9  }
0x2f: {  	_ =	task.clear_ibuf [dreg:s7], $0x5FFFF;
	_ =	strace $0x90000049  }
0x30: {  	s29 =	simm.s32 $0x9;
	_ =	strace $0x8000004B  }
0x31: {  	_ =	swait.ge [sflag:s29], $0x1  }
0x32: {  	[sflag:s29] =	ssyncadd.s32 $0xFFFFFFFF  }
0x33: {  	_ =	strace $0x9000004B  }
0x34: {  	_ =	sfence  }
0x35: {  	s30 =	sld [smem:$0x0];
	_ =	sdelay $0x2  }
0x36: {  	s31 =	sshll.u32 s1, $0xD;
	s1 =	sshrl.u32 s1, $0x2  }
0x37: {  	s3 =	sand.u32 $0x4000, s31;
	s1 =	sadd.s32 s1, s30  }
0x38: {  	s0 =	sor.u32 s3, s0;
	s1 =	sshll.u32 s1, $0x11  }
0x39: {  	s0 =	sor.u32 s1, s0  }
0x3a: {  	s0 =	sadd.s32 $0x8F2B, s0  }
0x3b: {  	[sflag:s0] =	ssyncadd.remote.s32 $0x1  }
0x3c: {  	_ =	sfence.sel $0xFFFF  }
0x3d: {  	[dreg:$0x0] =	wrdreg $0xFFFFFFFF;
	(pc) =	sbr.abs _section_cstart, $3  }
0x3e: {  	[dreg:$0x1] =	wrdreg $0xFFFFFFFF  }
0x3f: {  	_ =	task.clear_ibuf [dreg:s7], $0x2FFFF;
	_ =	strace $0x9FFFFFFF  }
0x40: {  	(tm) =	ssettm $0x7FFFFFFF  }
0x41: {  	_ =	shalt  }
tec
execute0_lowered:
.L_overlay_start_1:
0x0: {  	(tag) =	ssettag $0x1  }
0x1: {  	s1 =	rddreg [dreg:$0x0]  }
0x2: {  	s2 =	rddreg [dreg:$0x1]  }
0x3: {  	s0 =	rddreg [dreg:$0x2]  }
0x4: {  	s4 =	srdreg.scid;
	_ =	strace $0x8000004A;
	s6 =	simm.s32 $0x2  }
0x5: {  	s14 =	simm.s32 $0x0;
	p0 =	por $0x0, $0x0;
	s15 =	simm.s32 $0x0  }
0x6: {  	s16 =	simm.s32 $0x0;
	s7 =	simm.s32 $0x0;
	s9 =	simm.s32 $0x0  }
.Ltmp0:
0x7: {  	s10 =	simm.s32 $0x0;
	s11 =	simm.s32 $0x0;
	(pc) =	sbr.rel .LBB1_1-.Ltmp0, $4  }
0x8: {  	s12 =	simm.s32 $0x0;
	s3 =	sadd.s32 $0x1A00, s1;
	s4 =	sshll.u32 s4, $0x4  }
0x9: {  	s1 =	stileid.u32;
	s5 =	sand.u32 $0x10, s4;
	s4 =	simm.s32 $0x1  }
0xa: {  	s8 =	simm.s32 $0x0;
	s5 =	sor.u32 s1, s5;
	[sflag:s4] =	ssyncpa.u1 $0x0  }
0xb: {  	[sflag:s6] =	ssyncpa.u1 $0x0;
	s6 =	simm.s32 $0x2000;
	s13 =	smov.u32 s5  }
.LBB1_5:
0xc: {  	p1 =	slt.u32 s8, $0x2  }
0xd: {  	p2 =	sgt.s32 @!p1 s16, $0x3F  }
0xe: {  	s17 =	smov.u32 s16;
	s18 =	sshra.s32 @!p1 s16, $0x1F;
	p2 =	por !p2, p1  }
0xf: {  	s16 =	sand.u32 @!p1 s18, s16;
	s17 =	simm.s32 @p2 $0x3F  }
0x10: {  	p3 =	sgt.s32 @!p1 s15, $0x380;
	s16 =	ssub.s32 @!p1 s17, s16  }
0x11: {  	p3 =	por !p3, p1;
	s18 =	sshra.s32 @!p1 s15, $0x1F;
	s17 =	sadd.s32 @!p1 $0xFFFFFFC1, s16  }
0x12: {  	s16 =	ssub.s32 @!p1 $0x40, s16;
	p2 =	sgt.s32 @!p1 s17, $0x0;
	s17 =	smov.u32 s15  }
0x13: {  	s15 =	sand.u32 @!p1 s18, s15;
	s17 =	simm.s32 @p3 $0x380;
	p3 =	sgt.s32 @!p1 s14, $0x40  }
0x14: {  	s18 =	smov.u32 s14;
	p2 =	por !p2, p1;
	p3 =	por !p3, p1  }
0x15: {  	s15 =	ssub.s32 @!p1 s17, s15;
	s17 =	sshra.s32 @!p1 s14, $0x1F;
	s16 =	simm.s32 @!p2 $0x0  }
0x16: {  	s18 =	simm.s32 @p3 $0x40;
	s14 =	sand.u32 @!p1 s17, s14;
	s17 =	sadd.s32 @!p1 $0xFFFFFC80, s15  }
0x17: {  	s15 =	ssub.s32 @!p1 $0x400, s15;
	s14 =	ssub.s32 @!p1 s18, s14;
	p2 =	sgt.s32 @!p1 s17, $0x7F  }
0x18: {  	s18 =	smov.u32 s12;
	s17 =	sadd.s32 @!p1 $0xFFFFFFC0, s14;
	p2 =	por !p2, p1  }
0x19: {  	s14 =	ssub.s32 @!p1 $0xC0, s14;
	p3 =	sgt.s32 @!p1 s17, $0x7F;
	s15 =	simm.s32 @!p2 $0x0  }
0x1a: {  	s17 =	sadd.s32 $0x80, s11;
	p2 =	por !p3, p1;
	s15 =	smul.u32 @!p1 s16, s15  }
0x1b: {  	s16 =	sadd.s32 $0x80, s12;
	s14 =	simm.s32 @!p2 $0x0;
	p2 =	sgt.s32 s17, $0xBF  }
0x1c: {  	s19 =	smov.u32 s13;
	s18 =	smov.u32 @p2 s16  }
0x1d: {  	s14 =	smul.u32 @!p1 s14, s15;
	s15 =	sadd.s32 $0x20, s13;
	p3 =	sgt.s32 s18, $0x3FF  }
0x1e: {  	s8 =	sadd.s32 $0x1, s8;
	p0 =	por !p0, !p0;
	s19 =	smov.u32 @p3 s15  }
0x1f: {  	s20 =	simm.s32 @!p1 $0x2;
	s17 =	simm.s32 @p2 $0x0;
	p2 =	sgt.s32 s19, $0x3F  }
0x20: {  	s16 =	smov.u32 s10;
	s19 =	smov.u32 @p2 s5;
	p2 =	sne.s32 s8, $0x22  }
.Ltmp1:
0x21: {  	s10 =	smov.u32 s13;
	s14 =	sand.u32 @!p1 $0x3FFFFFFF, s14;
	(pc) =	sbr.rel @!p2 .LBB1_6-.Ltmp1, $4  }
0x22: {  	s18 =	simm.s32 @p3 $0x0;
	s15 =	smov.u32 s9;
	s9 =	smov.u32 s12  }
0x23: {  	_ =	swait.ge @!p1 [sflag:s20], s14;
	s21 =	ssub.s32 @!p1 $0x0, s14;
	s14 =	smov.u32 s7  }
0x24: {  	s7 =	smov.u32 s11;
	s11 =	smov.u32 s17;
	[sflag:s20] =	ssyncset.done @!p1 $0x0  }
0x25: {  	s12 =	smov.u32 s18;
	[sflag:s20] =	ssyncadd.s32 @!p1 s21;
	s13 =	smov.u32 s19  }
.LBB1_1:
0x26: {  	p1 =	sgt.u32 s8, $0x1F  }
0x27: {  	s17 =	sxor.u32 @!p1 $0xFFFFFFFF, s8  }
0x28: {  	s18 =	sshll.u32 @!p1 s12, $0x8;
	s19 =	sshll.u32 @!p1 s11, $0x3;
	s20 =	sshll.u32 @!p1 s12, $0x7  }
0x29: {  	s21 =	sand.u32 @!p1 $0x78, s11;
	s18 =	sand.u32 @!p1 $0x3F800, s18;
	s19 =	sand.u32 @!p1 $0x3FC00, s19  }
0x2a: {  	s17 =	sshll.u32 @!p1 s17, $0xE;
	s18 =	sadd.s32 @!p1 s18, s19;
	s19 =	sand.u32 @!p1 $0x300, s20  }
0x2b: {  	s17 =	sand.u32 @!p1 $0x4000, s17;
	s18 =	sor.u32 @!p1 s19, s18;
	s19 =	sand.u32 @!p1 $0x80, s20  }
0x2c: {  	s20 =	sshll.u32 @!p1 s13, $0xF;
	s19 =	sor.u32 @!p1 s21, s19;
	s18 =	sshrl.u32 @!p1 s18, $0x3  }
0x2d: {  	s20 =	sadd.s32 @!p1 s3, s20;
	s21 =	sand.u32 @!p1 $0x7, s11;
	s19 =	sshrl.u32 @!p1 s19, $0x3  }
0x2e: {  	s18 =	sand.u32 @!p1 $0x7FE0, s18;
	s19 =	sadd.s32 @!p1 s19, s20;
	s20 =	sshll.u32 @!p1 s21, $0x12  }
0x2f: {  	s18 =	sadd.s32 @!p1 s18, s19;
	s19 =	sor.u32 @!p1 $0x400, s20;
	s20 =	simm.s32 @!p1 $0x800  }
0x30: {  	[tilespmem:s17], [sflag:$0x1] =	stream.strided.gather @!p1 [hbm4b:s18+s19], $0x4000, s20, s19, $0x38;
	[tilespmem:$0x10100] =	vst v63  }
0x31: {  	p1 =	seq.s32 s8, $0x0  }
0x32: {  	p2 =	seq.s32 @!p1 s8, $0x21  }
0x33: {  	p1 =	por p1, p2  }
.Ltmp2:
0x34: {  	_ = 	snop;
	(pc) =	sbr.rel @p1 .LBB1_5-.Ltmp2, $1  }
0x35: {  	_ =	sdelay $0x3  }
0x36: {  	s17 =	simm.s32 $0x1  }
0x37: {  	_ =	swait.ge [sflag:s4], $0x4000;
	s17 =	simm.s32 @!p0 $0x0  }
0x38: {  	[sflag:s4] =	ssyncset.done $0x0;
	s18 =	sshll.u32 s17, $0xE  }
0x39: {  	[sflag:s4] =	ssyncadd.s32 $0xFFFFC000;
	s18 =	sor.u32 $0x40, s18  }
0x3a: {  	s17 =	smul.u32 $0x10200, s17;
	v0 =	vld [tilespmem:s18+$0x30]  }
0x3b: {  	v1 =	vld [tilespmem:s18+$0xFFFFFFD0]  }
0x3c: {  	s17 =	sshrl.u32 s17, $0x2;
	v5 =	vld [tilespmem:s18+$0xFFFFFFE0]  }
0x3d: {  	v6 =	vld [tilespmem:s18+$0xFFFFFFF0];
	s20 =	sor.u32 $0x8000, s17  }
0x3e: {  	s31 =	sand.u32 $0x1, s8;
	v4 =	vld [tilespmem:s18+$0x0];
	s19 =	sadd.s32 $0x0, s20  }
0x3f: {  	v3 =	vld [tilespmem:s18+$0x10];
	s17 =	smul.u32 $0x10200, s31;
	[tilespmem:s19+$0x3870 ss:$0x81] =	vst.msk $0xffff, v0  }
0x40: {  	v2 =	vld [tilespmem:s18+$0x20];
	[tilespmem:s19+$0x810 ss:$0x81] =	vst.msk $0xffff, v1  }
0x41: {  	s17 =	sshrl.u32 s17, $0x2;
	v1 =	vld [tilespmem:s18+$0xFFFFFFC0];
	[tilespmem:s19+$0x1020 ss:$0x81] =	vst.msk $0xffff, v5;
	s18 =	sadd.s32 $0x80, s18  }
0x42: {  	s21 =	simm.s32 $0x4;
	s22 =	simm.s32 $0x8;
	s17 =	sor.u32 $0x8000, s17;
	[tilespmem:s19+$0x1830 ss:$0x81] =	vst.msk $0xffff, v6;
	v0 =	vld [tilespmem:s18+$0x30]  }
.LBB1_3:
0x43: {  	p1 =	sne.s32 s22, $0x1FC;
	v5 =	vld [tilespmem:s18+$0xFFFFFFD0];
	[tilespmem:s19+$0x2040 ss:$0x81] =	vst.msk $0xffff, v4  }
0x44: {  	v6 =	vld [tilespmem:s18+$0xFFFFFFE0];
	[tilespmem:s19+$0x2850 ss:$0x81] =	vst.msk $0xffff, v3  }
0x45: {  	s23 =	sshra.s32 s21, $0x2;
	s21 =	smov.u32 s22;
	v7 =	vld [tilespmem:s18+$0xFFFFFFF0];
	[tilespmem:s19+$0x3060 ss:$0x81] =	vst.msk $0xffff, v2  }
.Ltmp3:
0x46: {  	v4 =	vld [tilespmem:s18+$0x0];
	[tilespmem:s19+$0x0 ss:$0x81] =	vst.msk $0xffff, v1;
	s19 =	sadd.s32 s23, s20;
	(pc) =	sbr.rel @p1 .LBB1_3-.Ltmp3, $4  }
0x47: {  	v3 =	vld [tilespmem:s18+$0x10];
	[tilespmem:s19+$0x3870 ss:$0x81] =	vst.msk $0xffff, v0  }
0x48: {  	[tilespmem:s19+$0x810 ss:$0x81] =	vst.msk $0xffff, v5;
	v2 =	vld [tilespmem:s18+$0x20]  }
0x49: {  	v1 =	vld [tilespmem:s18+$0xFFFFFFC0];
	[tilespmem:s19+$0x1020 ss:$0x81] =	vst.msk $0xffff, v6;
	s18 =	sadd.s32 $0x80, s18  }
0x4a: {  	s22 =	sadd.s32 $0x4, s22;
	v0 =	vld [tilespmem:s18+$0x30];
	[tilespmem:s19+$0x1830 ss:$0x81] =	vst.msk $0xffff, v7  }
0x4b: {  	s22 =	sshll.u32 s7, $0xA  }
0x4c: {  	s21 =	sshra.s32 s21, $0x2;
	s23 =	sshll.u32 s9, $0x3;
	p1 =	sgt.s32 s10, $0x3F  }
0x4d: {  	s24 =	smov.u32 s10;
	s25 =	sshra.s32 s10, $0x1F;
	p2 =	sgt.s32 s9, $0x380  }
0x4e: {  	s28 =	sshra.s32 s9, $0x1F;
	s26 =	sshra.s32 s7, $0x1F;
	s22 =	sand.u32 $0xFFFFE000, s22  }
0x4f: {  	s23 =	sand.u32 $0xFFFFFC00, s23;
	s24 =	simm.s32 @!p1 $0x3F;
	s25 =	sand.u32 s25, s10  }
0x50: {  	s20 =	sadd.s32 s21, s20;
	s26 =	sand.u32 s26, s7;
	s30 =	sadd.s32 s23, s22  }
0x51: {  	v5 =	vld [tilespmem:s18+$0xFFFFFFD0];
	[tilespmem:s19+$0x2040 ss:$0x81] =	vst.msk $0xffff, v4;
	s31 =	ssub.s32 s24, s25;
	s24 =	smov.u32 s9;
	s25 =	smov.u32 s7  }
0x52: {  	v58 =	vld [tilespmem:s18+$0xFFFFFFE0];
	[tilespmem:s19+$0x2850 ss:$0x81] =	vst.msk $0xffff, v3;
	s23 =	sand.u32 s28, s9;
	s28 =	smul.u32 $0x6000, s10;
	s21 =	sshrl.u32 s30, $0xA  }
0x53: {  	v59 =	vld [tilespmem:s18+$0xFFFFFFF0];
	[tilespmem:s19+$0x3060 ss:$0x81] =	vst.msk $0xffff, v2;
	s27 =	sadd.s32 $0xFFFFFFC1, s31;
	s24 =	simm.s32 @!p2 $0x380;
	p2 =	sgt.s32 s7, $0x40  }
0x54: {  	v60 =	vld [tilespmem:s18+$0x0];
	[tilespmem:s19+$0x0 ss:$0x81] =	vst.msk $0xffff, v1;
	s19 =	ssub.s32 $0x40, s31;
	p1 =	sgt.s32 s27, $0x0;
	s25 =	simm.s32 @!p2 $0x40  }
0x55: {  	v61 =	vld [tilespmem:s18+$0x10];
	s23 =	ssub.s32 s24, s23;
	s29 =	smulhi.u32 $0x1555556, s21;
	s27 =	sshll.u32 s7, $0x7  }
0x56: {  	v62 =	vld [tilespmem:s18+$0x20];
	s25 =	ssub.s32 s25, s26;
	s30 =	sadd.s32 $0xFFFFFC80, s23;
	s22 =	ssub.s32 $0x400, s23  }
0x57: {  	v63 =	vld [tilespmem:s18+$0xFFFFFFC0];
	[tilespmem:s20+$0x3870 ss:$0x81] =	vst.msk $0xffff, v0;
	s19 =	simm.s32 @p1 $0x0;
	s26 =	sand.u32 $0x78, s9;
	s18 =	sand.u32 $0x380, s27  }
0x58: {  	[tilespmem:s20+$0x810 ss:$0x81] =	vst.msk $0xffff, v5;
	p2 =	sgt.s32 s30, $0x7F;
	s31 =	sadd.s32 $0xFFFFFFC0, s25;
	s24 =	smul.u32 $0xC0, s29  }
0x59: {  	[tilespmem:s20+$0x1020 ss:$0x81] =	vst.msk $0xffff, v58;
	s25 =	ssub.s32 $0xC0, s25;
	s18 =	sor.u32 s26, s18;
	s22 =	simm.s32 @p2 $0x0  }
0x5a: {  	[tilespmem:s20+$0x1830 ss:$0x81] =	vst.msk $0xffff, v59;
	s29 =	sand.u32 $0x7, s9;
	p1 =	sgt.s32 s31, $0x7F;
	s19 =	smul.u32 s19, s22  }
.Ltmp4:
0x5b: {  	[tilespmem:s20+$0x2040 ss:$0x81] =	vst.msk $0xffff, v60;
	s18 =	sshrl.u32 s18, $0x3;
	s25 =	simm.s32 @p1 $0x0;
	(pc) =	sbr.rel .LBB1_5-.Ltmp4, $4  }
0x5c: {  	[tilespmem:s20+$0x2850 ss:$0x81] =	vst.msk $0xffff, v61;
	s21 =	ssub.s32 s21, s24;
	s22 =	sadd.s32 s2, s28;
	s19 =	smul.u32 s25, s19  }
0x5d: {  	[tilespmem:s20+$0x3060 ss:$0x81] =	vst.msk $0xffff, v62;
	s30 =	sshll.u32 s29, $0x12;
	s21 =	sshll.u32 s21, $0x7;
	s18 =	sadd.s32 s18, s22  }
0x5e: {  	[tilespmem:s20+$0x0 ss:$0x81] =	vst.msk $0xffff, v63;
	s31 =	sor.u32 $0x400, s30;
	s18 =	sadd.s32 s21, s18;
	s19 =	sand.u32 $0x3FFFFFFF, s19  }
0x5f: {  	[hbm4b:s18+s31] =	stream.strided.scatter [tilespmem:s17], [sflag:$0x2], s19, s6, s31, $0x20;
	[tilespmem:$0x10100] =	vst v63  }
.LBB1_6:
0x60: {  	_ =	sfence.sel $0x180000  }
0x61: {  	s2 =	simm.s32 $0x1;
	[bflag:$0x0] =	sbarrier.arrive $0xFFFF  }
0x62: {  	s31 =	simm.s32 $0x2;
	[sflag:s2] =	ssyncpa.u1 $0x1  }
0x63: {  	[sflag:s31] =	ssyncpa.u1 $0x1  }
0x64: {  	p0 =	sne.s32 s1, $0x0;
	_ =	strace $0x9000004A  }
0x65: {  	s0 =	sadd.s32 @!p0 $0x100000, s0;
	[bflag:$0x2] =	sbarrier.arrive $0xFFFF  }
0x66: {  	[sflag:s0] =	ssyncadd.tile.s32 @!p0 $0x1;
	_ =	shalt  }
.Lfunc_end1:
_tile_overlayer_lowered:
.L_overlay_start_2:
0x67: {  	(tag) =	ssettag $0x2  }
0x68: {  	s0 =	rddreg [dreg:$0x0];
	s2 =	stileid.u32  }
0x69: {  	s1 =	rddreg [dreg:$0x1];
	p0 =	sne.s32 s2, $0x0  }
0x6a: {  	s3 =	rddreg [dreg:$0x2];
	[bflag:$0x3] =	sbarrier.arrive $0xFFFF;
	s2 =	simm.s32 @!p0 $0x1C01  }
0x6b: {  	[timem:s3], [sflag:s2] =	dma.local @!p0 [hbm:s0], s1  }
0x6c: {  	s0 =	simm.s32 @!p0 $0x1  }
0x6d: {  	_ =	swait.ge @!p0 [sflag:s0], s1  }
0x6e: {  	s1 =	ssub.s32 @!p0 $0x0, s1;
	[sflag:s0] =	ssyncset.done @!p0 $0x0  }
0x6f: {  	[sflag:s0] =	ssyncadd.s32 @!p0 s1  }
0x70: {  	[bflag:$0x3] =	sbarrier.arrive $0xFFFF  }
0x71: {  	_ =	shalt  }

</sc_bundles>
